<compile_context>
chip_gen: v7x
topology: tpu7x:2x2x1
jax: 0.10.2.dev20260603
libtpu: 0.0.44.dev20260713+nightly
codegen_flags: <defaults>
</compile_context>

<pallas_src>
import functools

import jax
import jax.numpy as jnp
from jax import lax
from jax.experimental import pallas as pl
from jax.experimental.pallas import tpu as pltpu
from jax.experimental.pallas import tpu_sc as plsc

_D = 64
_N = 16384
_C = 20
_NW = 32
_PW = _N // _NW
_NB = 2
_NGRP = _C // _NB


def _make_kernel(vocab):
    mesh = plsc.VectorSubcoreMesh(core_axis_name="c", subcore_axis_name="s")
    out_t = jax.ShapeDtypeStruct((_N, _C, _D), jnp.float32)
    scratch = [
        pltpu.VMEM((_C, _PW), jnp.int32),
        pltpu.VMEM((_PW, _D), jnp.float32),
        pltpu.VMEM((_PW, _D), jnp.float32),
        pltpu.SemaphoreType.DMA,
        pltpu.SemaphoreType.DMA,
    ]

    @functools.partial(
        pl.kernel, out_type=out_t, mesh=mesh, scratch_types=scratch,
        compiler_params=pltpu.CompilerParams(use_tc_tiling_on_sc=False))
    def k(idx_hbm, tab_hbm, out_hbm, idxall, rows0, rows1, gsem, wsem):
        wid = lax.axis_index("s") * 2 + lax.axis_index("c")
        n0 = wid * _PW
        rows = (rows0, rows1)

        def g_fire(c, b):
            pltpu.async_copy(tab_hbm.at[idxall.at[c]], rows[b], gsem)

        def g_wait(b):
            pltpu.make_async_copy(
                tab_hbm.at[idxall.at[0]], rows[b], gsem).wait()

        def w_fire(c, b):
            pltpu.async_copy(rows[b], out_hbm.at[pl.ds(n0, _PW), c], wsem)

        def w_wait(b):
            pltpu.make_async_copy(
                rows[b], out_hbm.at[pl.ds(n0, _PW), 0], wsem).wait()

        pltpu.sync_copy(idx_hbm.at[pl.ds(0, _C), pl.ds(n0, _PW)], idxall)
        g_fire(0, 0)
        g_fire(1, 1)
        g_wait(0)
        w_fire(0, 0)
        w_wait(0)
        g_fire(2, 0)
        g_wait(1)
        w_fire(1, 1)

        def grp(g, _):
            for b in range(_NB):
                c = g * _NB + b
                w_wait((b + 1) % _NB)
                g_fire(c + 1, (b + 1) % _NB)
                g_wait(b)
                w_fire(c, b)
            return 0

        lax.fori_loop(1, _NGRP - 1, grp, 0)

        w_wait(1)
        g_fire(_C - 1, 1)
        g_wait(0)
        w_fire(_C - 2, 0)
        w_wait(0)
        g_wait(1)
        w_fire(_C - 1, 1)
        w_wait(1)

    return k


_KERNELS = {v: _make_kernel(v) for v in (1000000, 100000, 1000)}


def kernel(cat_a, cat_b, cat_c, W_cat_a, W_cat_b, W_cat_c):
    ob = _KERNELS[100000](cat_b.T, W_cat_b)
    oc = _KERNELS[1000](cat_c.T, W_cat_c)
    oa = _KERNELS[1000000](cat_a.T, W_cat_a)
    return (oa, ob, oc)

# --- scband reference (transcript-rebuilt; emitter-appended) ---
"""Pipeline reference for scband-metadata-embedding-24893630447749 (READ-ONLY COPY).

The authoritative reference and input builder live on the scoring server;
editing this copy changes nothing except your own understanding.
"""

import jax, jax.numpy as jnp
import numpy as np

VOCABS = {"cat_a": 1000000, "cat_b": 100000, "cat_c": 1000}
D_MODEL = 64
N = 16384
C = 20


def setup_inputs(seed: int = 0) -> dict:
    key = jax.random.key(seed)
    ks = jax.random.split(key, 6)
    inp = {}
    inp["cat_a"] = jax.random.randint(ks[0], (N, C), 0, VOCABS["cat_a"], dtype=jnp.int64 if jax.config.jax_enable_x64 else jnp.int32)
    inp["cat_b"] = jax.random.randint(ks[1], (N, C), 0, VOCABS["cat_b"], dtype=jnp.int64 if jax.config.jax_enable_x64 else jnp.int32)
    inp["cat_c"] = jax.random.randint(ks[2], (N, C), 0, VOCABS["cat_c"], dtype=jnp.int64 if jax.config.jax_enable_x64 else jnp.int32)
    # Learned embedding tables, initialized per embeddings_initializer (normal, std=0.02)
    inp["W_cat_a"] = jax.random.normal(ks[3], (VOCABS["cat_a"], D_MODEL), dtype=jnp.float32) * 0.02
    inp["W_cat_b"] = jax.random.normal(ks[4], (VOCABS["cat_b"], D_MODEL), dtype=jnp.float32) * 0.02
    inp["W_cat_c"] = jax.random.normal(ks[5], (VOCABS["cat_c"], D_MODEL), dtype=jnp.float32) * 0.02
    return inp


def reference(cat_a, cat_b, cat_c, W_cat_a, W_cat_b, W_cat_c):
    # Faithful translation of MetadataEmbedding.forward: per-key embedding lookup
    # {key: embedding_dict[key](tokens_nc)} -> tuple of (n, c, d) tensors in key order.
    out_a = jnp.take(W_cat_a, cat_a, axis=0)
    out_b = jnp.take(W_cat_b, cat_b, axis=0)
    out_c = jnp.take(W_cat_c, cat_c, axis=0)
    return (out_a, out_b, out_c)

if __name__ == "__main__":
    import jax
    _d = setup_inputs()
    print(jax.jit(kernel)(*tuple(_d.values())))

</pallas_src>

<mosaic_0001>
#map = affine_map<(d0, d1) -> (0, 0)>
#map1 = affine_map<(d0, d1) -> (0, 0, 0)>
module attributes {stable_mosaic.version = 14 : i64} {
  func.func @k(%arg0: i32, %arg1: i32, %arg2: memref<20x16384xi32, #tpu.memory_space<hbm>>, %arg3: memref<100000x64xf32, #tpu.memory_space<hbm>>, %arg4: memref<16384x20x64xf32, #tpu.memory_space<hbm>>, %arg5: memref<20x512xi32, #tpu.memory_space<vmem>>, %arg6: memref<512x64xf32, #tpu.memory_space<vmem>>, %arg7: memref<512x64xf32, #tpu.memory_space<vmem>>, %arg8: memref<!tpu.dma_semaphore, #tpu.memory_space<semaphore_mem>>, %arg9: memref<!tpu.dma_semaphore, #tpu.memory_space<semaphore_mem>>) attributes {dimension_semantics = [#tpu.dimension_semantics<core_parallel>, #tpu.dimension_semantics<subcore_parallel>], iteration_bounds = array<i64: 2, 16>, scalar_prefetch = 0 : i64, scratch_operands = 5 : i64, tpu.core_type = #tpu.core_type<sc_vector_subcore>, window_params = [{transform_indices = #map}, {transform_indices = #map}, {transform_indices = #map1}]} {
    %mul3A = arith.constant 2 : i32
    %mul3A_0 = arith.muli %arg1, %mul3A : i32
    %add3A = arith.addi %mul3A_0, %arg0 : i32
    %mul3A_1 = arith.constant 512 : i32
    %mul3A_2 = arith.muli %add3A, %mul3A_1 : i32
    "tpu.region"() ({
      %run_scoped3A = tpu.sem_alloc : memref<!tpu.dma_semaphore, #tpu.memory_space<semaphore_mem>>
      %dma_start3A_119 = arith.constant 0 : i32
      %dma_start3A_120 = tpu.memref_slice %arg2[%dma_start3A_119, %mul3A_2] : memref<20x16384xi32, #tpu.memory_space<hbm>> -> memref<20x512xi32, #tpu.memory_space<hbm>>
      %dma_start3A_121 = arith.constant 0 : i32
      %dma_start3A_122 = tpu.memref_slice %arg2[%dma_start3A_121, %mul3A_2] : memref<20x16384xi32, #tpu.memory_space<hbm>> -> memref<20x512xi32, #tpu.memory_space<hbm>>
      tpu.enqueue_dma source(%dma_start3A_122 : memref<20x512xi32, #tpu.memory_space<hbm>>) target(%arg5 : memref<20x512xi32, #tpu.memory_space<vmem>>) target_semaphore(%run_scoped3A : memref<!tpu.dma_semaphore, #tpu.memory_space<semaphore_mem>>)
      %dma_wait3A_123 = arith.constant 0 : i32
      %dma_wait3A_124 = tpu.memref_slice %arg2[%dma_wait3A_123, %mul3A_2] : memref<20x16384xi32, #tpu.memory_space<hbm>> -> memref<20x512xi32, #tpu.memory_space<hbm>>
      %dma_wait3A_125 = arith.constant 0 : i32
      %dma_wait3A_126 = tpu.memref_slice %arg2[%dma_wait3A_125, %mul3A_2] : memref<20x16384xi32, #tpu.memory_space<hbm>> -> memref<20x512xi32, #tpu.memory_space<hbm>>
      tpu.wait_dma2 semaphore(%run_scoped3A : memref<!tpu.dma_semaphore, #tpu.memory_space<semaphore_mem>>) src(%dma_wait3A_126 : memref<20x512xi32, #tpu.memory_space<hbm>>) dst(%arg5 : memref<20x512xi32, #tpu.memory_space<vmem>>)
      tpu.yield
    }) : () -> ()
    %dma_start3A = arith.constant 0 : i32
    %dma_start3A_3 = arith.constant 0 : i32
    %dma_start3A_4 = tpu.memref_slice %arg5[%dma_start3A, %dma_start3A_3] : memref<20x512xi32, #tpu.memory_space<vmem>> -> memref<1x512xi32, #tpu.memory_space<vmem>>
    %dma_start3A_5 = tpu.memref_squeeze %dma_start3A_4 : memref<1x512xi32, #tpu.memory_space<vmem>> -> memref<512xi32, #tpu.memory_space<vmem>>
    %dma_start3A_6 = arith.constant 0 : i32
    %dma_start3A_7 = arith.constant 0 : i32
    %dma_start3A_8 = tpu.memref_slice %arg3[%dma_start3A_6, %dma_start3A_7] : memref<100000x64xf32, #tpu.memory_space<hbm>> -> memref<100000x64xf32, #tpu.memory_space<hbm>>
    tpu.enqueue_indirect_dma source(%dma_start3A_8 : memref<100000x64xf32, #tpu.memory_space<hbm>>) target(%arg6 : memref<512x64xf32, #tpu.memory_space<vmem>>) offsets(%dma_start3A_5 : memref<512xi32, #tpu.memory_space<vmem>>) semaphore(%arg8 : memref<!tpu.dma_semaphore, #tpu.memory_space<semaphore_mem>>)
    %dma_start3A_9 = arith.constant 1 : i32
    %dma_start3A_10 = arith.constant 0 : i32
    %dma_start3A_11 = tpu.memref_slice %arg5[%dma_start3A_9, %dma_start3A_10] : memref<20x512xi32, #tpu.memory_space<vmem>> -> memref<1x512xi32, #tpu.memory_space<vmem>>
    %dma_start3A_12 = tpu.memref_squeeze %dma_start3A_11 : memref<1x512xi32, #tpu.memory_space<vmem>> -> memref<512xi32, #tpu.memory_space<vmem>>
    %dma_start3A_13 = arith.constant 0 : i32
    %dma_start3A_14 = arith.constant 0 : i32
    %dma_start3A_15 = tpu.memref_slice %arg3[%dma_start3A_13, %dma_start3A_14] : memref<100000x64xf32, #tpu.memory_space<hbm>> -> memref<100000x64xf32, #tpu.memory_space<hbm>>
    tpu.enqueue_indirect_dma source(%dma_start3A_15 : memref<100000x64xf32, #tpu.memory_space<hbm>>) target(%arg7 : memref<512x64xf32, #tpu.memory_space<vmem>>) offsets(%dma_start3A_12 : memref<512xi32, #tpu.memory_space<vmem>>) semaphore(%arg8 : memref<!tpu.dma_semaphore, #tpu.memory_space<semaphore_mem>>)
    %dma_wait3A = arith.constant 0 : i32
    %dma_wait3A_16 = arith.constant 0 : i32
    %dma_wait3A_17 = tpu.memref_slice %arg5[%dma_wait3A, %dma_wait3A_16] : memref<20x512xi32, #tpu.memory_space<vmem>> -> memref<1x512xi32, #tpu.memory_space<vmem>>
    %dma_wait3A_18 = tpu.memref_squeeze %dma_wait3A_17 : memref<1x512xi32, #tpu.memory_space<vmem>> -> memref<512xi32, #tpu.memory_space<vmem>>
    %dma_wait3A_19 = arith.constant 0 : i32
    %dma_wait3A_20 = arith.constant 0 : i32
    %dma_wait3A_21 = tpu.memref_slice %arg3[%dma_wait3A_19, %dma_wait3A_20] : memref<100000x64xf32, #tpu.memory_space<hbm>> -> memref<100000x64xf32, #tpu.memory_space<hbm>>
    tpu.wait_indirect_dma semaphore(%arg8 : memref<!tpu.dma_semaphore, #tpu.memory_space<semaphore_mem>>) src(%dma_wait3A_21 : memref<100000x64xf32, #tpu.memory_space<hbm>>) dst(%arg6 : memref<512x64xf32, #tpu.memory_space<vmem>>)
    %dma_start3A_22 = arith.constant 0 : i32
    %dma_start3A_23 = arith.constant 0 : i32
    %dma_start3A_24 = tpu.memref_slice %arg4[%mul3A_2, %dma_start3A_22, %dma_start3A_23] : memref<16384x20x64xf32, #tpu.memory_space<hbm>> -> memref<512x1x64xf32, #tpu.memory_space<hbm>>
    %dma_start3A_25 = tpu.memref_squeeze %dma_start3A_24 : memref<512x1x64xf32, #tpu.memory_space<hbm>> -> memref<512x64xf32, #tpu.memory_space<hbm>>
    %dma_start3A_26 = arith.constant 0 : i32
    %dma_start3A_27 = tpu.memref_slice %arg4[%mul3A_2, %dma_start3A_22, %dma_start3A_26] : memref<16384x20x64xf32, #tpu.memory_space<hbm>> -> memref<512x1x64xf32, #tpu.memory_space<hbm>>
    %dma_start3A_28 = tpu.memref_squeeze %dma_start3A_27 : memref<512x1x64xf32, #tpu.memory_space<hbm>> -> memref<512x64xf32, #tpu.memory_space<hbm>>
    tpu.enqueue_dma source(%arg6 : memref<512x64xf32, #tpu.memory_space<vmem>>) target(%dma_start3A_28 : memref<512x64xf32, #tpu.memory_space<hbm>>) target_semaphore(%arg9 : memref<!tpu.dma_semaphore, #tpu.memory_space<semaphore_mem>>)
    %dma_wait3A_29 = arith.constant 0 : i32
    %dma_wait3A_30 = arith.constant 0 : i32
    %dma_wait3A_31 = tpu.memref_slice %arg4[%mul3A_2, %dma_wait3A_29, %dma_wait3A_30] : memref<16384x20x64xf32, #tpu.memory_space<hbm>> -> memref<512x1x64xf32, #tpu.memory_space<hbm>>
    %dma_wait3A_32 = tpu.memref_squeeze %dma_wait3A_31 : memref<512x1x64xf32, #tpu.memory_space<hbm>> -> memref<512x64xf32, #tpu.memory_space<hbm>>
    %dma_wait3A_33 = arith.constant 0 : i32
    %dma_wait3A_34 = tpu.memref_slice %arg4[%mul3A_2, %dma_wait3A_29, %dma_wait3A_33] : memref<16384x20x64xf32, #tpu.memory_space<hbm>> -> memref<512x1x64xf32, #tpu.memory_space<hbm>>
    %dma_wait3A_35 = tpu.memref_squeeze %dma_wait3A_34 : memref<512x1x64xf32, #tpu.memory_space<hbm>> -> memref<512x64xf32, #tpu.memory_space<hbm>>
    tpu.wait_dma2 semaphore(%arg9 : memref<!tpu.dma_semaphore, #tpu.memory_space<semaphore_mem>>) src(%arg6 : memref<512x64xf32, #tpu.memory_space<vmem>>) dst(%dma_wait3A_35 : memref<512x64xf32, #tpu.memory_space<hbm>>)
    %dma_start3A_36 = arith.constant 2 : i32
    %dma_start3A_37 = arith.constant 0 : i32
    %dma_start3A_38 = tpu.memref_slice %arg5[%dma_start3A_36, %dma_start3A_37] : memref<20x512xi32, #tpu.memory_space<vmem>> -> memref<1x512xi32, #tpu.memory_space<vmem>>
    %dma_start3A_39 = tpu.memref_squeeze %dma_start3A_38 : memref<1x512xi32, #tpu.memory_space<vmem>> -> memref<512xi32, #tpu.memory_space<vmem>>
    %dma_start3A_40 = arith.constant 0 : i32
    %dma_start3A_41 = arith.constant 0 : i32
    %dma_start3A_42 = tpu.memref_slice %arg3[%dma_start3A_40, %dma_start3A_41] : memref<100000x64xf32, #tpu.memory_space<hbm>> -> memref<100000x64xf32, #tpu.memory_space<hbm>>
    tpu.enqueue_indirect_dma source(%dma_start3A_42 : memref<100000x64xf32, #tpu.memory_space<hbm>>) target(%arg6 : memref<512x64xf32, #tpu.memory_space<vmem>>) offsets(%dma_start3A_39 : memref<512xi32, #tpu.memory_space<vmem>>) semaphore(%arg8 : memref<!tpu.dma_semaphore, #tpu.memory_space<semaphore_mem>>)
    %dma_wait3A_43 = arith.constant 0 : i32
    %dma_wait3A_44 = arith.constant 0 : i32
    %dma_wait3A_45 = tpu.memref_slice %arg5[%dma_wait3A_43, %dma_wait3A_44] : memref<20x512xi32, #tpu.memory_space<vmem>> -> memref<1x512xi32, #tpu.memory_space<vmem>>
    %dma_wait3A_46 = tpu.memref_squeeze %dma_wait3A_45 : memref<1x512xi32, #tpu.memory_space<vmem>> -> memref<512xi32, #tpu.memory_space<vmem>>
    %dma_wait3A_47 = arith.constant 0 : i32
    %dma_wait3A_48 = arith.constant 0 : i32
    %dma_wait3A_49 = tpu.memref_slice %arg3[%dma_wait3A_47, %dma_wait3A_48] : memref<100000x64xf32, #tpu.memory_space<hbm>> -> memref<100000x64xf32, #tpu.memory_space<hbm>>
    tpu.wait_indirect_dma semaphore(%arg8 : memref<!tpu.dma_semaphore, #tpu.memory_space<semaphore_mem>>) src(%dma_wait3A_49 : memref<100000x64xf32, #tpu.memory_space<hbm>>) dst(%arg7 : memref<512x64xf32, #tpu.memory_space<vmem>>)
    %dma_start3A_50 = arith.constant 1 : i32
    %dma_start3A_51 = arith.constant 0 : i32
    %dma_start3A_52 = tpu.memref_slice %arg4[%mul3A_2, %dma_start3A_50, %dma_start3A_51] : memref<16384x20x64xf32, #tpu.memory_space<hbm>> -> memref<512x1x64xf32, #tpu.memory_space<hbm>>
    %dma_start3A_53 = tpu.memref_squeeze %dma_start3A_52 : memref<512x1x64xf32, #tpu.memory_space<hbm>> -> memref<512x64xf32, #tpu.memory_space<hbm>>
    %dma_start3A_54 = arith.constant 0 : i32
    %dma_start3A_55 = tpu.memref_slice %arg4[%mul3A_2, %dma_start3A_50, %dma_start3A_54] : memref<16384x20x64xf32, #tpu.memory_space<hbm>> -> memref<512x1x64xf32, #tpu.memory_space<hbm>>
    %dma_start3A_56 = tpu.memref_squeeze %dma_start3A_55 : memref<512x1x64xf32, #tpu.memory_space<hbm>> -> memref<512x64xf32, #tpu.memory_space<hbm>>
    tpu.enqueue_dma source(%arg7 : memref<512x64xf32, #tpu.memory_space<vmem>>) target(%dma_start3A_56 : memref<512x64xf32, #tpu.memory_space<hbm>>) target_semaphore(%arg9 : memref<!tpu.dma_semaphore, #tpu.memory_space<semaphore_mem>>)
    %scan3A = arith.constant 0 : i32
    %scan3A_57 = arith.constant 1 : i32
    %scan3A_58 = arith.constant 8 : i32
    %scan3A_59 = arith.addi %scan3A_57, %scan3A_58 : i32
    %scan3A_60 = arith.constant 1 : i32
    %scan3A_61 = scf.for %scan3A_119 = %scan3A_57 to %scan3A_59 step %scan3A_60 iter_args(%scan3A_120 = %scan3A) -> (i32)  : i32 {
      %mul3A_121 = arith.constant 2 : i32
      %mul3A_122 = arith.muli %scan3A_119, %mul3A_121 : i32
      %add3A_123 = arith.constant 0 : i32
      %add3A_124 = arith.addi %mul3A_122, %add3A_123 : i32
      %dma_wait3A_125 = arith.constant 0 : i32
      %dma_wait3A_126 = arith.constant 0 : i32
      %dma_wait3A_127 = tpu.memref_slice %arg4[%mul3A_2, %dma_wait3A_125, %dma_wait3A_126] : memref<16384x20x64xf32, #tpu.memory_space<hbm>> -> memref<512x1x64xf32, #tpu.memory_space<hbm>>
      %dma_wait3A_128 = tpu.memref_squeeze %dma_wait3A_127 : memref<512x1x64xf32, #tpu.memory_space<hbm>> -> memref<512x64xf32, #tpu.memory_space<hbm>>
      %dma_wait3A_129 = arith.constant 0 : i32
      %dma_wait3A_130 = tpu.memref_slice %arg4[%mul3A_2, %dma_wait3A_125, %dma_wait3A_129] : memref<16384x20x64xf32, #tpu.memory_space<hbm>> -> memref<512x1x64xf32, #tpu.memory_space<hbm>>
      %dma_wait3A_131 = tpu.memref_squeeze %dma_wait3A_130 : memref<512x1x64xf32, #tpu.memory_space<hbm>> -> memref<512x64xf32, #tpu.memory_space<hbm>>
      tpu.wait_dma2 semaphore(%arg9 : memref<!tpu.dma_semaphore, #tpu.memory_space<semaphore_mem>>) src(%arg7 : memref<512x64xf32, #tpu.memory_space<vmem>>) dst(%dma_wait3A_131 : memref<512x64xf32, #tpu.memory_space<hbm>>)
      %add3A_132 = arith.constant 1 : i32
      %add3A_133 = arith.addi %add3A_124, %add3A_132 : i32
      %dma_start3A_134 = arith.constant 0 : i32
      %dma_start3A_135 = tpu.memref_slice %arg5[%add3A_133, %dma_start3A_134] : memref<20x512xi32, #tpu.memory_space<vmem>> -> memref<1x512xi32, #tpu.memory_space<vmem>>
      %dma_start3A_136 = tpu.memref_squeeze %dma_start3A_135 : memref<1x512xi32, #tpu.memory_space<vmem>> -> memref<512xi32, #tpu.memory_space<vmem>>
      %dma_start3A_137 = arith.constant 0 : i32
      %dma_start3A_138 = arith.constant 0 : i32
      %dma_start3A_139 = tpu.memref_slice %arg3[%dma_start3A_137, %dma_start3A_138] : memref<100000x64xf32, #tpu.memory_space<hbm>> -> memref<100000x64xf32, #tpu.memory_space<hbm>>
      tpu.enqueue_indirect_dma source(%dma_start3A_139 : memref<100000x64xf32, #tpu.memory_space<hbm>>) target(%arg7 : memref<512x64xf32, #tpu.memory_space<vmem>>) offsets(%dma_start3A_136 : memref<512xi32, #tpu.memory_space<vmem>>) semaphore(%arg8 : memref<!tpu.dma_semaphore, #tpu.memory_space<semaphore_mem>>)
      %dma_wait3A_140 = arith.constant 0 : i32
      %dma_wait3A_141 = arith.constant 0 : i32
      %dma_wait3A_142 = tpu.memref_slice %arg5[%dma_wait3A_140, %dma_wait3A_141] : memref<20x512xi32, #tpu.memory_space<vmem>> -> memref<1x512xi32, #tpu.memory_space<vmem>>
      %dma_wait3A_143 = tpu.memref_squeeze %dma_wait3A_142 : memref<1x512xi32, #tpu.memory_space<vmem>> -> memref<512xi32, #tpu.memory_space<vmem>>
      %dma_wait3A_144 = arith.constant 0 : i32
      %dma_wait3A_145 = arith.constant 0 : i32
      %dma_wait3A_146 = tpu.memref_slice %arg3[%dma_wait3A_144, %dma_wait3A_145] : memref<100000x64xf32, #tpu.memory_space<hbm>> -> memref<100000x64xf32, #tpu.memory_space<hbm>>
      tpu.wait_indirect_dma semaphore(%arg8 : memref<!tpu.dma_semaphore, #tpu.memory_space<semaphore_mem>>) src(%dma_wait3A_146 : memref<100000x64xf32, #tpu.memory_space<hbm>>) dst(%arg6 : memref<512x64xf32, #tpu.memory_space<vmem>>)
      %dma_start3A_147 = arith.constant 0 : i32
      %dma_start3A_148 = tpu.memref_slice %arg4[%mul3A_2, %add3A_124, %dma_start3A_147] : memref<16384x20x64xf32, #tpu.memory_space<hbm>> -> memref<512x1x64xf32, #tpu.memory_space<hbm>>
      %dma_start3A_149 = tpu.memref_squeeze %dma_start3A_148 : memref<512x1x64xf32, #tpu.memory_space<hbm>> -> memref<512x64xf32, #tpu.memory_space<hbm>>
      %dma_start3A_150 = arith.constant 0 : i32
      %dma_start3A_151 = tpu.memref_slice %arg4[%mul3A_2, %add3A_124, %dma_start3A_150] : memref<16384x20x64xf32, #tpu.memory_space<hbm>> -> memref<512x1x64xf32, #tpu.memory_space<hbm>>
      %dma_start3A_152 = tpu.memref_squeeze %dma_start3A_151 : memref<512x1x64xf32, #tpu.memory_space<hbm>> -> memref<512x64xf32, #tpu.memory_space<hbm>>
      tpu.enqueue_dma source(%arg6 : memref<512x64xf32, #tpu.memory_space<vmem>>) target(%dma_start3A_152 : memref<512x64xf32, #tpu.memory_space<hbm>>) target_semaphore(%arg9 : memref<!tpu.dma_semaphore, #tpu.memory_space<semaphore_mem>>)
      %mul3A_153 = arith.constant 2 : i32
      %mul3A_154 = arith.muli %scan3A_119, %mul3A_153 : i32
      %add3A_155 = arith.constant 1 : i32
      %add3A_156 = arith.addi %mul3A_154, %add3A_155 : i32
      %dma_wait3A_157 = arith.constant 0 : i32
      %dma_wait3A_158 = arith.constant 0 : i32
      %dma_wait3A_159 = tpu.memref_slice %arg4[%mul3A_2, %dma_wait3A_157, %dma_wait3A_158] : memref<16384x20x64xf32, #tpu.memory_space<hbm>> -> memref<512x1x64xf32, #tpu.memory_space<hbm>>
      %dma_wait3A_160 = tpu.memref_squeeze %dma_wait3A_159 : memref<512x1x64xf32, #tpu.memory_space<hbm>> -> memref<512x64xf32, #tpu.memory_space<hbm>>
      %dma_wait3A_161 = arith.constant 0 : i32
      %dma_wait3A_162 = tpu.memref_slice %arg4[%mul3A_2, %dma_wait3A_157, %dma_wait3A_161] : memref<16384x20x64xf32, #tpu.memory_space<hbm>> -> memref<512x1x64xf32, #tpu.memory_space<hbm>>
      %dma_wait3A_163 = tpu.memref_squeeze %dma_wait3A_162 : memref<512x1x64xf32, #tpu.memory_space<hbm>> -> memref<512x64xf32, #tpu.memory_space<hbm>>
      tpu.wait_dma2 semaphore(%arg9 : memref<!tpu.dma_semaphore, #tpu.memory_space<semaphore_mem>>) src(%arg6 : memref<512x64xf32, #tpu.memory_space<vmem>>) dst(%dma_wait3A_163 : memref<512x64xf32, #tpu.memory_space<hbm>>)
      %add3A_164 = arith.constant 1 : i32
      %add3A_165 = arith.addi %add3A_156, %add3A_164 : i32
      %dma_start3A_166 = arith.constant 0 : i32
      %dma_start3A_167 = tpu.memref_slice %arg5[%add3A_165, %dma_start3A_166] : memref<20x512xi32, #tpu.memory_space<vmem>> -> memref<1x512xi32, #tpu.memory_space<vmem>>
      %dma_start3A_168 = tpu.memref_squeeze %dma_start3A_167 : memref<1x512xi32, #tpu.memory_space<vmem>> -> memref<512xi32, #tpu.memory_space<vmem>>
      %dma_start3A_169 = arith.constant 0 : i32
      %dma_start3A_170 = arith.constant 0 : i32
      %dma_start3A_171 = tpu.memref_slice %arg3[%dma_start3A_169, %dma_start3A_170] : memref<100000x64xf32, #tpu.memory_space<hbm>> -> memref<100000x64xf32, #tpu.memory_space<hbm>>
      tpu.enqueue_indirect_dma source(%dma_start3A_171 : memref<100000x64xf32, #tpu.memory_space<hbm>>) target(%arg6 : memref<512x64xf32, #tpu.memory_space<vmem>>) offsets(%dma_start3A_168 : memref<512xi32, #tpu.memory_space<vmem>>) semaphore(%arg8 : memref<!tpu.dma_semaphore, #tpu.memory_space<semaphore_mem>>)
      %dma_wait3A_172 = arith.constant 0 : i32
      %dma_wait3A_173 = arith.constant 0 : i32
      %dma_wait3A_174 = tpu.memref_slice %arg5[%dma_wait3A_172, %dma_wait3A_173] : memref<20x512xi32, #tpu.memory_space<vmem>> -> memref<1x512xi32, #tpu.memory_space<vmem>>
      %dma_wait3A_175 = tpu.memref_squeeze %dma_wait3A_174 : memref<1x512xi32, #tpu.memory_space<vmem>> -> memref<512xi32, #tpu.memory_space<vmem>>
      %dma_wait3A_176 = arith.constant 0 : i32
      %dma_wait3A_177 = arith.constant 0 : i32
      %dma_wait3A_178 = tpu.memref_slice %arg3[%dma_wait3A_176, %dma_wait3A_177] : memref<100000x64xf32, #tpu.memory_space<hbm>> -> memref<100000x64xf32, #tpu.memory_space<hbm>>
      tpu.wait_indirect_dma semaphore(%arg8 : memref<!tpu.dma_semaphore, #tpu.memory_space<semaphore_mem>>) src(%dma_wait3A_178 : memref<100000x64xf32, #tpu.memory_space<hbm>>) dst(%arg7 : memref<512x64xf32, #tpu.memory_space<vmem>>)
      %dma_start3A_179 = arith.constant 0 : i32
      %dma_start3A_180 = tpu.memref_slice %arg4[%mul3A_2, %add3A_156, %dma_start3A_179] : memref<16384x20x64xf32, #tpu.memory_space<hbm>> -> memref<512x1x64xf32, #tpu.memory_space<hbm>>
      %dma_start3A_181 = tpu.memref_squeeze %dma_start3A_180 : memref<512x1x64xf32, #tpu.memory_space<hbm>> -> memref<512x64xf32, #tpu.memory_space<hbm>>
      %dma_start3A_182 = arith.constant 0 : i32
      %dma_start3A_183 = tpu.memref_slice %arg4[%mul3A_2, %add3A_156, %dma_start3A_182] : memref<16384x20x64xf32, #tpu.memory_space<hbm>> -> memref<512x1x64xf32, #tpu.memory_space<hbm>>
      %dma_start3A_184 = tpu.memref_squeeze %dma_start3A_183 : memref<512x1x64xf32, #tpu.memory_space<hbm>> -> memref<512x64xf32, #tpu.memory_space<hbm>>
      tpu.enqueue_dma source(%arg7 : memref<512x64xf32, #tpu.memory_space<vmem>>) target(%dma_start3A_184 : memref<512x64xf32, #tpu.memory_space<hbm>>) target_semaphore(%arg9 : memref<!tpu.dma_semaphore, #tpu.memory_space<semaphore_mem>>)
      %scan3A_185 = arith.constant 0 : i32
      scf.yield %scan3A_185 : i32
    }
    %scan3A_62 = arith.constant 8 : i32
    %dma_wait3A_63 = arith.constant 0 : i32
    %dma_wait3A_64 = arith.constant 0 : i32
    %dma_wait3A_65 = tpu.memref_slice %arg4[%mul3A_2, %dma_wait3A_63, %dma_wait3A_64] : memref<16384x20x64xf32, #tpu.memory_space<hbm>> -> memref<512x1x64xf32, #tpu.memory_space<hbm>>
    %dma_wait3A_66 = tpu.memref_squeeze %dma_wait3A_65 : memref<512x1x64xf32, #tpu.memory_space<hbm>> -> memref<512x64xf32, #tpu.memory_space<hbm>>
    %dma_wait3A_67 = arith.constant 0 : i32
    %dma_wait3A_68 = tpu.memref_slice %arg4[%mul3A_2, %dma_wait3A_63, %dma_wait3A_67] : memref<16384x20x64xf32, #tpu.memory_space<hbm>> -> memref<512x1x64xf32, #tpu.memory_space<hbm>>
    %dma_wait3A_69 = tpu.memref_squeeze %dma_wait3A_68 : memref<512x1x64xf32, #tpu.memory_space<hbm>> -> memref<512x64xf32, #tpu.memory_space<hbm>>
    tpu.wait_dma2 semaphore(%arg9 : memref<!tpu.dma_semaphore, #tpu.memory_space<semaphore_mem>>) src(%arg7 : memref<512x64xf32, #tpu.memory_space<vmem>>) dst(%dma_wait3A_69 : memref<512x64xf32, #tpu.memory_space<hbm>>)
    %dma_start3A_70 = arith.constant 19 : i32
    %dma_start3A_71 = arith.constant 0 : i32
    %dma_start3A_72 = tpu.memref_slice %arg5[%dma_start3A_70, %dma_start3A_71] : memref<20x512xi32, #tpu.memory_space<vmem>> -> memref<1x512xi32, #tpu.memory_space<vmem>>
    %dma_start3A_73 = tpu.memref_squeeze %dma_start3A_72 : memref<1x512xi32, #tpu.memory_space<vmem>> -> memref<512xi32, #tpu.memory_space<vmem>>
    %dma_start3A_74 = arith.constant 0 : i32
    %dma_start3A_75 = arith.constant 0 : i32
    %dma_start3A_76 = tpu.memref_slice %arg3[%dma_start3A_74, %dma_start3A_75] : memref<100000x64xf32, #tpu.memory_space<hbm>> -> memref<100000x64xf32, #tpu.memory_space<hbm>>
    tpu.enqueue_indirect_dma source(%dma_start3A_76 : memref<100000x64xf32, #tpu.memory_space<hbm>>) target(%arg7 : memref<512x64xf32, #tpu.memory_space<vmem>>) offsets(%dma_start3A_73 : memref<512xi32, #tpu.memory_space<vmem>>) semaphore(%arg8 : memref<!tpu.dma_semaphore, #tpu.memory_space<semaphore_mem>>)
    %dma_wait3A_77 = arith.constant 0 : i32
    %dma_wait3A_78 = arith.constant 0 : i32
    %dma_wait3A_79 = tpu.memref_slice %arg5[%dma_wait3A_77, %dma_wait3A_78] : memref<20x512xi32, #tpu.memory_space<vmem>> -> memref<1x512xi32, #tpu.memory_space<vmem>>
    %dma_wait3A_80 = tpu.memref_squeeze %dma_wait3A_79 : memref<1x512xi32, #tpu.memory_space<vmem>> -> memref<512xi32, #tpu.memory_space<vmem>>
    %dma_wait3A_81 = arith.constant 0 : i32
    %dma_wait3A_82 = arith.constant 0 : i32
    %dma_wait3A_83 = tpu.memref_slice %arg3[%dma_wait3A_81, %dma_wait3A_82] : memref<100000x64xf32, #tpu.memory_space<hbm>> -> memref<100000x64xf32, #tpu.memory_space<hbm>>
    tpu.wait_indirect_dma semaphore(%arg8 : memref<!tpu.dma_semaphore, #tpu.memory_space<semaphore_mem>>) src(%dma_wait3A_83 : memref<100000x64xf32, #tpu.memory_space<hbm>>) dst(%arg6 : memref<512x64xf32, #tpu.memory_space<vmem>>)
    %dma_start3A_84 = arith.constant 18 : i32
    %dma_start3A_85 = arith.constant 0 : i32
    %dma_start3A_86 = tpu.memref_slice %arg4[%mul3A_2, %dma_start3A_84, %dma_start3A_85] : memref<16384x20x64xf32, #tpu.memory_space<hbm>> -> memref<512x1x64xf32, #tpu.memory_space<hbm>>
    %dma_start3A_87 = tpu.memref_squeeze %dma_start3A_86 : memref<512x1x64xf32, #tpu.memory_space<hbm>> -> memref<512x64xf32, #tpu.memory_space<hbm>>
    %dma_start3A_88 = arith.constant 0 : i32
    %dma_start3A_89 = tpu.memref_slice %arg4[%mul3A_2, %dma_start3A_84, %dma_start3A_88] : memref<16384x20x64xf32, #tpu.memory_space<hbm>> -> memref<512x1x64xf32, #tpu.memory_space<hbm>>
    %dma_start3A_90 = tpu.memref_squeeze %dma_start3A_89 : memref<512x1x64xf32, #tpu.memory_space<hbm>> -> memref<512x64xf32, #tpu.memory_space<hbm>>
    tpu.enqueue_dma source(%arg6 : memref<512x64xf32, #tpu.memory_space<vmem>>) target(%dma_start3A_90 : memref<512x64xf32, #tpu.memory_space<hbm>>) target_semaphore(%arg9 : memref<!tpu.dma_semaphore, #tpu.memory_space<semaphore_mem>>)
    %dma_wait3A_91 = arith.constant 0 : i32
    %dma_wait3A_92 = arith.constant 0 : i32
    %dma_wait3A_93 = tpu.memref_slice %arg4[%mul3A_2, %dma_wait3A_91, %dma_wait3A_92] : memref<16384x20x64xf32, #tpu.memory_space<hbm>> -> memref<512x1x64xf32, #tpu.memory_space<hbm>>
    %dma_wait3A_94 = tpu.memref_squeeze %dma_wait3A_93 : memref<512x1x64xf32, #tpu.memory_space<hbm>> -> memref<512x64xf32, #tpu.memory_space<hbm>>
    %dma_wait3A_95 = arith.constant 0 : i32
    %dma_wait3A_96 = tpu.memref_slice %arg4[%mul3A_2, %dma_wait3A_91, %dma_wait3A_95] : memref<16384x20x64xf32, #tpu.memory_space<hbm>> -> memref<512x1x64xf32, #tpu.memory_space<hbm>>
    %dma_wait3A_97 = tpu.memref_squeeze %dma_wait3A_96 : memref<512x1x64xf32, #tpu.memory_space<hbm>> -> memref<512x64xf32, #tpu.memory_space<hbm>>
    tpu.wait_dma2 semaphore(%arg9 : memref<!tpu.dma_semaphore, #tpu.memory_space<semaphore_mem>>) src(%arg6 : memref<512x64xf32, #tpu.memory_space<vmem>>) dst(%dma_wait3A_97 : memref<512x64xf32, #tpu.memory_space<hbm>>)
    %dma_wait3A_98 = arith.constant 0 : i32
    %dma_wait3A_99 = arith.constant 0 : i32
    %dma_wait3A_100 = tpu.memref_slice %arg5[%dma_wait3A_98, %dma_wait3A_99] : memref<20x512xi32, #tpu.memory_space<vmem>> -> memref<1x512xi32, #tpu.memory_space<vmem>>
    %dma_wait3A_101 = tpu.memref_squeeze %dma_wait3A_100 : memref<1x512xi32, #tpu.memory_space<vmem>> -> memref<512xi32, #tpu.memory_space<vmem>>
    %dma_wait3A_102 = arith.constant 0 : i32
    %dma_wait3A_103 = arith.constant 0 : i32
    %dma_wait3A_104 = tpu.memref_slice %arg3[%dma_wait3A_102, %dma_wait3A_103] : memref<100000x64xf32, #tpu.memory_space<hbm>> -> memref<100000x64xf32, #tpu.memory_space<hbm>>
    tpu.wait_indirect_dma semaphore(%arg8 : memref<!tpu.dma_semaphore, #tpu.memory_space<semaphore_mem>>) src(%dma_wait3A_104 : memref<100000x64xf32, #tpu.memory_space<hbm>>) dst(%arg7 : memref<512x64xf32, #tpu.memory_space<vmem>>)
    %dma_start3A_105 = arith.constant 19 : i32
    %dma_start3A_106 = arith.constant 0 : i32
    %dma_start3A_107 = tpu.memref_slice %arg4[%mul3A_2, %dma_start3A_105, %dma_start3A_106] : memref<16384x20x64xf32, #tpu.memory_space<hbm>> -> memref<512x1x64xf32, #tpu.memory_space<hbm>>
    %dma_start3A_108 = tpu.memref_squeeze %dma_start3A_107 : memref<512x1x64xf32, #tpu.memory_space<hbm>> -> memref<512x64xf32, #tpu.memory_space<hbm>>
    %dma_start3A_109 = arith.constant 0 : i32
    %dma_start3A_110 = tpu.memref_slice %arg4[%mul3A_2, %dma_start3A_105, %dma_start3A_109] : memref<16384x20x64xf32, #tpu.memory_space<hbm>> -> memref<512x1x64xf32, #tpu.memory_space<hbm>>
    %dma_start3A_111 = tpu.memref_squeeze %dma_start3A_110 : memref<512x1x64xf32, #tpu.memory_space<hbm>> -> memref<512x64xf32, #tpu.memory_space<hbm>>
    tpu.enqueue_dma source(%arg7 : memref<512x64xf32, #tpu.memory_space<vmem>>) target(%dma_start3A_111 : memref<512x64xf32, #tpu.memory_space<hbm>>) target_semaphore(%arg9 : memref<!tpu.dma_semaphore, #tpu.memory_space<semaphore_mem>>)
    %dma_wait3A_112 = arith.constant 0 : i32
    %dma_wait3A_113 = arith.constant 0 : i32
    %dma_wait3A_114 = tpu.memref_slice %arg4[%mul3A_2, %dma_wait3A_112, %dma_wait3A_113] : memref<16384x20x64xf32, #tpu.memory_space<hbm>> -> memref<512x1x64xf32, #tpu.memory_space<hbm>>
    %dma_wait3A_115 = tpu.memref_squeeze %dma_wait3A_114 : memref<512x1x64xf32, #tpu.memory_space<hbm>> -> memref<512x64xf32, #tpu.memory_space<hbm>>
    %dma_wait3A_116 = arith.constant 0 : i32
    %dma_wait3A_117 = tpu.memref_slice %arg4[%mul3A_2, %dma_wait3A_112, %dma_wait3A_116] : memref<16384x20x64xf32, #tpu.memory_space<hbm>> -> memref<512x1x64xf32, #tpu.memory_space<hbm>>
    %dma_wait3A_118 = tpu.memref_squeeze %dma_wait3A_117 : memref<512x1x64xf32, #tpu.memory_space<hbm>> -> memref<512x64xf32, #tpu.memory_space<hbm>>
    tpu.wait_dma2 semaphore(%arg9 : memref<!tpu.dma_semaphore, #tpu.memory_space<semaphore_mem>>) src(%arg7 : memref<512x64xf32, #tpu.memory_space<vmem>>) dst(%dma_wait3A_118 : memref<512x64xf32, #tpu.memory_space<hbm>>)
    return
  }
}

#map = affine_map<(d0, d1) -> (0, 0)>
#map1 = affine_map<(d0, d1) -> (0, 0, 0)>
module attributes {stable_mosaic.version = 14 : i64} {
  func.func @k(%arg0: i32, %arg1: i32, %arg2: memref<20x16384xi32, #tpu.memory_space<hbm>>, %arg3: memref<1000000x64xf32, #tpu.memory_space<hbm>>, %arg4: memref<16384x20x64xf32, #tpu.memory_space<hbm>>, %arg5: memref<20x512xi32, #tpu.memory_space<vmem>>, %arg6: memref<512x64xf32, #tpu.memory_space<vmem>>, %arg7: memref<512x64xf32, #tpu.memory_space<vmem>>, %arg8: memref<!tpu.dma_semaphore, #tpu.memory_space<semaphore_mem>>, %arg9: memref<!tpu.dma_semaphore, #tpu.memory_space<semaphore_mem>>) attributes {dimension_semantics = [#tpu.dimension_semantics<core_parallel>, #tpu.dimension_semantics<subcore_parallel>], iteration_bounds = array<i64: 2, 16>, scalar_prefetch = 0 : i64, scratch_operands = 5 : i64, tpu.core_type = #tpu.core_type<sc_vector_subcore>, window_params = [{transform_indices = #map}, {transform_indices = #map}, {transform_indices = #map1}]} {
    %mul3A = arith.constant 2 : i32
    %mul3A_0 = arith.muli %arg1, %mul3A : i32
    %add3A = arith.addi %mul3A_0, %arg0 : i32
    %mul3A_1 = arith.constant 512 : i32
    %mul3A_2 = arith.muli %add3A, %mul3A_1 : i32
    "tpu.region"() ({
      %run_scoped3A = tpu.sem_alloc : memref<!tpu.dma_semaphore, #tpu.memory_space<semaphore_mem>>
      %dma_start3A_119 = arith.constant 0 : i32
      %dma_start3A_120 = tpu.memref_slice %arg2[%dma_start3A_119, %mul3A_2] : memref<20x16384xi32, #tpu.memory_space<hbm>> -> memref<20x512xi32, #tpu.memory_space<hbm>>
      %dma_start3A_121 = arith.constant 0 : i32
      %dma_start3A_122 = tpu.memref_slice %arg2[%dma_start3A_121, %mul3A_2] : memref<20x16384xi32, #tpu.memory_space<hbm>> -> memref<20x512xi32, #tpu.memory_space<hbm>>
      tpu.enqueue_dma source(%dma_start3A_122 : memref<20x512xi32, #tpu.memory_space<hbm>>) target(%arg5 : memref<20x512xi32, #tpu.memory_space<vmem>>) target_semaphore(%run_scoped3A : memref<!tpu.dma_semaphore, #tpu.memory_space<semaphore_mem>>)
      %dma_wait3A_123 = arith.constant 0 : i32
      %dma_wait3A_124 = tpu.memref_slice %arg2[%dma_wait3A_123, %mul3A_2] : memref<20x16384xi32, #tpu.memory_space<hbm>> -> memref<20x512xi32, #tpu.memory_space<hbm>>
      %dma_wait3A_125 = arith.constant 0 : i32
      %dma_wait3A_126 = tpu.memref_slice %arg2[%dma_wait3A_125, %mul3A_2] : memref<20x16384xi32, #tpu.memory_space<hbm>> -> memref<20x512xi32, #tpu.memory_space<hbm>>
      tpu.wait_dma2 semaphore(%run_scoped3A : memref<!tpu.dma_semaphore, #tpu.memory_space<semaphore_mem>>) src(%dma_wait3A_126 : memref<20x512xi32, #tpu.memory_space<hbm>>) dst(%arg5 : memref<20x512xi32, #tpu.memory_space<vmem>>)
      tpu.yield
    }) : () -> ()
    %dma_start3A = arith.constant 0 : i32
    %dma_start3A_3 = arith.constant 0 : i32
    %dma_start3A_4 = tpu.memref_slice %arg5[%dma_start3A, %dma_start3A_3] : memref<20x512xi32, #tpu.memory_space<vmem>> -> memref<1x512xi32, #tpu.memory_space<vmem>>
    %dma_start3A_5 = tpu.memref_squeeze %dma_start3A_4 : memref<1x512xi32, #tpu.memory_space<vmem>> -> memref<512xi32, #tpu.memory_space<vmem>>
    %dma_start3A_6 = arith.constant 0 : i32
    %dma_start3A_7 = arith.constant 0 : i32
    %dma_start3A_8 = tpu.memref_slice %arg3[%dma_start3A_6, %dma_start3A_7] : memref<1000000x64xf32, #tpu.memory_space<hbm>> -> memref<1000000x64xf32, #tpu.memory_space<hbm>>
    tpu.enqueue_indirect_dma source(%dma_start3A_8 : memref<1000000x64xf32, #tpu.memory_space<hbm>>) target(%arg6 : memref<512x64xf32, #tpu.memory_space<vmem>>) offsets(%dma_start3A_5 : memref<512xi32, #tpu.memory_space<vmem>>) semaphore(%arg8 : memref<!tpu.dma_semaphore, #tpu.memory_space<semaphore_mem>>)
    %dma_start3A_9 = arith.constant 1 : i32
    %dma_start3A_10 = arith.constant 0 : i32
    %dma_start3A_11 = tpu.memref_slice %arg5[%dma_start3A_9, %dma_start3A_10] : memref<20x512xi32, #tpu.memory_space<vmem>> -> memref<1x512xi32, #tpu.memory_space<vmem>>
    %dma_start3A_12 = tpu.memref_squeeze %dma_start3A_11 : memref<1x512xi32, #tpu.memory_space<vmem>> -> memref<512xi32, #tpu.memory_space<vmem>>
    %dma_start3A_13 = arith.constant 0 : i32
    %dma_start3A_14 = arith.constant 0 : i32
    %dma_start3A_15 = tpu.memref_slice %arg3[%dma_start3A_13, %dma_start3A_14] : memref<1000000x64xf32, #tpu.memory_space<hbm>> -> memref<1000000x64xf32, #tpu.memory_space<hbm>>
    tpu.enqueue_indirect_dma source(%dma_start3A_15 : memref<1000000x64xf32, #tpu.memory_space<hbm>>) target(%arg7 : memref<512x64xf32, #tpu.memory_space<vmem>>) offsets(%dma_start3A_12 : memref<512xi32, #tpu.memory_space<vmem>>) semaphore(%arg8 : memref<!tpu.dma_semaphore, #tpu.memory_space<semaphore_mem>>)
    %dma_wait3A = arith.constant 0 : i32
    %dma_wait3A_16 = arith.constant 0 : i32
    %dma_wait3A_17 = tpu.memref_slice %arg5[%dma_wait3A, %dma_wait3A_16] : memref<20x512xi32, #tpu.memory_space<vmem>> -> memref<1x512xi32, #tpu.memory_space<vmem>>
    %dma_wait3A_18 = tpu.memref_squeeze %dma_wait3A_17 : memref<1x512xi32, #tpu.memory_space<vmem>> -> memref<512xi32, #tpu.memory_space<vmem>>
    %dma_wait3A_19 = arith.constant 0 : i32
    %dma_wait3A_20 = arith.constant 0 : i32
    %dma_wait3A_21 = tpu.memref_slice %arg3[%dma_wait3A_19, %dma_wait3A_20] : memref<1000000x64xf32, #tpu.memory_space<hbm>> -> memref<1000000x64xf32, #tpu.memory_space<hbm>>
    tpu.wait_indirect_dma semaphore(%arg8 : memref<!tpu.dma_semaphore, #tpu.memory_space<semaphore_mem>>) src(%dma_wait3A_21 : memref<1000000x64xf32, #tpu.memory_space<hbm>>) dst(%arg6 : memref<512x64xf32, #tpu.memory_space<vmem>>)
    %dma_start3A_22 = arith.constant 0 : i32
    %dma_start3A_23 = arith.constant 0 : i32
    %dma_start3A_24 = tpu.memref_slice %arg4[%mul3A_2, %dma_start3A_22, %dma_start3A_23] : memref<16384x20x64xf32, #tpu.memory_space<hbm>> -> memref<512x1x64xf32, #tpu.memory_space<hbm>>
    %dma_start3A_25 = tpu.memref_squeeze %dma_start3A_24 : memref<512x1x64xf32, #tpu.memory_space<hbm>> -> memref<512x64xf32, #tpu.memory_space<hbm>>
    %dma_start3A_26 = arith.constant 0 : i32
    %dma_start3A_27 = tpu.memref_slice %arg4[%mul3A_2, %dma_start3A_22, %dma_start3A_26] : memref<16384x20x64xf32, #tpu.memory_space<hbm>> -> memref<512x1x64xf32, #tpu.memory_space<hbm>>
    %dma_start3A_28 = tpu.memref_squeeze %dma_start3A_27 : memref<512x1x64xf32, #tpu.memory_space<hbm>> -> memref<512x64xf32, #tpu.memory_space<hbm>>
    tpu.enqueue_dma source(%arg6 : memref<512x64xf32, #tpu.memory_space<vmem>>) target(%dma_start3A_28 : memref<512x64xf32, #tpu.memory_space<hbm>>) target_semaphore(%arg9 : memref<!tpu.dma_semaphore, #tpu.memory_space<semaphore_mem>>)
    %dma_wait3A_29 = arith.constant 0 : i32
    %dma_wait3A_30 = arith.constant 0 : i32
    %dma_wait3A_31 = tpu.memref_slice %arg4[%mul3A_2, %dma_wait3A_29, %dma_wait3A_30] : memref<16384x20x64xf32, #tpu.memory_space<hbm>> -> memref<512x1x64xf32, #tpu.memory_space<hbm>>
    %dma_wait3A_32 = tpu.memref_squeeze %dma_wait3A_31 : memref<512x1x64xf32, #tpu.memory_space<hbm>> -> memref<512x64xf32, #tpu.memory_space<hbm>>
    %dma_wait3A_33 = arith.constant 0 : i32
    %dma_wait3A_34 = tpu.memref_slice %arg4[%mul3A_2, %dma_wait3A_29, %dma_wait3A_33] : memref<16384x20x64xf32, #tpu.memory_space<hbm>> -> memref<512x1x64xf32, #tpu.memory_space<hbm>>
    %dma_wait3A_35 = tpu.memref_squeeze %dma_wait3A_34 : memref<512x1x64xf32, #tpu.memory_space<hbm>> -> memref<512x64xf32, #tpu.memory_space<hbm>>
    tpu.wait_dma2 semaphore(%arg9 : memref<!tpu.dma_semaphore, #tpu.memory_space<semaphore_mem>>) src(%arg6 : memref<512x64xf32, #tpu.memory_space<vmem>>) dst(%dma_wait3A_35 : memref<512x64xf32, #tpu.memory_space<hbm>>)
    %dma_start3A_36 = arith.constant 2 : i32
    %dma_start3A_37 = arith.constant 0 : i32
    %dma_start3A_38 = tpu.memref_slice %arg5[%dma_start3A_36, %dma_start3A_37] : memref<20x512xi32, #tpu.memory_space<vmem>> -> memref<1x512xi32, #tpu.memory_space<vmem>>
    %dma_start3A_39 = tpu.memref_squeeze %dma_start3A_38 : memref<1x512xi32, #tpu.memory_space<vmem>> -> memref<512xi32, #tpu.memory_space<vmem>>
    %dma_start3A_40 = arith.constant 0 : i32
    %dma_start3A_41 = arith.constant 0 : i32
    %dma_start3A_42 = tpu.memref_slice %arg3[%dma_start3A_40, %dma_start3A_41] : memref<1000000x64xf32, #tpu.memory_space<hbm>> -> memref<1000000x64xf32, #tpu.memory_space<hbm>>
    tpu.enqueue_indirect_dma source(%dma_start3A_42 : memref<1000000x64xf32, #tpu.memory_space<hbm>>) target(%arg6 : memref<512x64xf32, #tpu.memory_space<vmem>>) offsets(%dma_start3A_39 : memref<512xi32, #tpu.memory_space<vmem>>) semaphore(%arg8 : memref<!tpu.dma_semaphore, #tpu.memory_space<semaphore_mem>>)
    %dma_wait3A_43 = arith.constant 0 : i32
    %dma_wait3A_44 = arith.constant 0 : i32
    %dma_wait3A_45 = tpu.memref_slice %arg5[%dma_wait3A_43, %dma_wait3A_44] : memref<20x512xi32, #tpu.memory_space<vmem>> -> memref<1x512xi32, #tpu.memory_space<vmem>>
    %dma_wait3A_46 = tpu.memref_squeeze %dma_wait3A_45 : memref<1x512xi32, #tpu.memory_space<vmem>> -> memref<512xi32, #tpu.memory_space<vmem>>
    %dma_wait3A_47 = arith.constant 0 : i32
    %dma_wait3A_48 = arith.constant 0 : i32
    %dma_wait3A_49 = tpu.memref_slice %arg3[%dma_wait3A_47, %dma_wait3A_48] : memref<1000000x64xf32, #tpu.memory_space<hbm>> -> memref<1000000x64xf32, #tpu.memory_space<hbm>>
    tpu.wait_indirect_dma semaphore(%arg8 : memref<!tpu.dma_semaphore, #tpu.memory_space<semaphore_mem>>) src(%dma_wait3A_49 : memref<1000000x64xf32, #tpu.memory_space<hbm>>) dst(%arg7 : memref<512x64xf32, #tpu.memory_space<vmem>>)
    %dma_start3A_50 = arith.constant 1 : i32
    %dma_start3A_51 = arith.constant 0 : i32
    %dma_start3A_52 = tpu.memref_slice %arg4[%mul3A_2, %dma_start3A_50, %dma_start3A_51] : memref<16384x20x64xf32, #tpu.memory_space<hbm>> -> memref<512x1x64xf32, #tpu.memory_space<hbm>>
    %dma_start3A_53 = tpu.memref_squeeze %dma_start3A_52 : memref<512x1x64xf32, #tpu.memory_space<hbm>> -> memref<512x64xf32, #tpu.memory_space<hbm>>
    %dma_start3A_54 = arith.constant 0 : i32
    %dma_start3A_55 = tpu.memref_slice %arg4[%mul3A_2, %dma_start3A_50, %dma_start3A_54] : memref<16384x20x64xf32, #tpu.memory_space<hbm>> -> memref<512x1x64xf32, #tpu.memory_space<hbm>>
    %dma_start3A_56 = tpu.memref_squeeze %dma_start3A_55 : memref<512x1x64xf32, #tpu.memory_space<hbm>> -> memref<512x64xf32, #tpu.memory_space<hbm>>
    tpu.enqueue_dma source(%arg7 : memref<512x64xf32, #tpu.memory_space<vmem>>) target(%dma_start3A_56 : memref<512x64xf32, #tpu.memory_space<hbm>>) target_semaphore(%arg9 : memref<!tpu.dma_semaphore, #tpu.memory_space<semaphore_mem>>)
    %scan3A = arith.constant 0 : i32
    %scan3A_57 = arith.constant 1 : i32
    %scan3A_58 = arith.constant 8 : i32
    %scan3A_59 = arith.addi %scan3A_57, %scan3A_58 : i32
    %scan3A_60 = arith.constant 1 : i32
    %scan3A_61 = scf.for %scan3A_119 = %scan3A_57 to %scan3A_59 step %scan3A_60 iter_args(%scan3A_120 = %scan3A) -> (i32)  : i32 {
      %mul3A_121 = arith.constant 2 : i32
      %mul3A_122 = arith.muli %scan3A_119, %mul3A_121 : i32
      %add3A_123 = arith.constant 0 : i32
      %add3A_124 = arith.addi %mul3A_122, %add3A_123 : i32
      %dma_wait3A_125 = arith.constant 0 : i32
      %dma_wait3A_126 = arith.constant 0 : i32
      %dma_wait3A_127 = tpu.memref_slice %arg4[%mul3A_2, %dma_wait3A_125, %dma_wait3A_126] : memref<16384x20x64xf32, #tpu.memory_space<hbm>> -> memref<512x1x64xf32, #tpu.memory_space<hbm>>
      %dma_wait3A_128 = tpu.memref_squeeze %dma_wait3A_127 : memref<512x1x64xf32, #tpu.memory_space<hbm>> -> memref<512x64xf32, #tpu.memory_space<hbm>>
      %dma_wait3A_129 = arith.constant 0 : i32
      %dma_wait3A_130 = tpu.memref_slice %arg4[%mul3A_2, %dma_wait3A_125, %dma_wait3A_129] : memref<16384x20x64xf32, #tpu.memory_space<hbm>> -> memref<512x1x64xf32, #tpu.memory_space<hbm>>
      %dma_wait3A_131 = tpu.memref_squeeze %dma_wait3A_130 : memref<512x1x64xf32, #tpu.memory_space<hbm>> -> memref<512x64xf32, #tpu.memory_space<hbm>>
      tpu.wait_dma2 semaphore(%arg9 : memref<!tpu.dma_semaphore, #tpu.memory_space<semaphore_mem>>) src(%arg7 : memref<512x64xf32, #tpu.memory_space<vmem>>) dst(%dma_wait3A_131 : memref<512x64xf32, #tpu.memory_space<hbm>>)
      %add3A_132 = arith.constant 1 : i32
      %add3A_133 = arith.addi %add3A_124, %add3A_132 : i32
      %dma_start3A_134 = arith.constant 0 : i32
      %dma_start3A_135 = tpu.memref_slice %arg5[%add3A_133, %dma_start3A_134] : memref<20x512xi32, #tpu.memory_space<vmem>> -> memref<1x512xi32, #tpu.memory_space<vmem>>
      %dma_start3A_136 = tpu.memref_squeeze %dma_start3A_135 : memref<1x512xi32, #tpu.memory_space<vmem>> -> memref<512xi32, #tpu.memory_space<vmem>>
      %dma_start3A_137 = arith.constant 0 : i32
      %dma_start3A_138 = arith.constant 0 : i32
      %dma_start3A_139 = tpu.memref_slice %arg3[%dma_start3A_137, %dma_start3A_138] : memref<1000000x64xf32, #tpu.memory_space<hbm>> -> memref<1000000x64xf32, #tpu.memory_space<hbm>>
      tpu.enqueue_indirect_dma source(%dma_start3A_139 : memref<1000000x64xf32, #tpu.memory_space<hbm>>) target(%arg7 : memref<512x64xf32, #tpu.memory_space<vmem>>) offsets(%dma_start3A_136 : memref<512xi32, #tpu.memory_space<vmem>>) semaphore(%arg8 : memref<!tpu.dma_semaphore, #tpu.memory_space<semaphore_mem>>)
      %dma_wait3A_140 = arith.constant 0 : i32
      %dma_wait3A_141 = arith.constant 0 : i32
      %dma_wait3A_142 = tpu.memref_slice %arg5[%dma_wait3A_140, %dma_wait3A_141] : memref<20x512xi32, #tpu.memory_space<vmem>> -> memref<1x512xi32, #tpu.memory_space<vmem>>
      %dma_wait3A_143 = tpu.memref_squeeze %dma_wait3A_142 : memref<1x512xi32, #tpu.memory_space<vmem>> -> memref<512xi32, #tpu.memory_space<vmem>>
      %dma_wait3A_144 = arith.constant 0 : i32
      %dma_wait3A_145 = arith.constant 0 : i32
      %dma_wait3A_146 = tpu.memref_slice %arg3[%dma_wait3A_144, %dma_wait3A_145] : memref<1000000x64xf32, #tpu.memory_space<hbm>> -> memref<1000000x64xf32, #tpu.memory_space<hbm>>
      tpu.wait_indirect_dma semaphore(%arg8 : memref<!tpu.dma_semaphore, #tpu.memory_space<semaphore_mem>>) src(%dma_wait3A_146 : memref<1000000x64xf32, #tpu.memory_space<hbm>>) dst(%arg6 : memref<512x64xf32, #tpu.memory_space<vmem>>)
      %dma_start3A_147 = arith.constant 0 : i32
      %dma_start3A_148 = tpu.memref_slice %arg4[%mul3A_2, %add3A_124, %dma_start3A_147] : memref<16384x20x64xf32, #tpu.memory_space<hbm>> -> memref<512x1x64xf32, #tpu.memory_space<hbm>>
      %dma_start3A_149 = tpu.memref_squeeze %dma_start3A_148 : memref<512x1x64xf32, #tpu.memory_space<hbm>> -> memref<512x64xf32, #tpu.memory_space<hbm>>
      %dma_start3A_150 = arith.constant 0 : i32
      %dma_start3A_151 = tpu.memref_slice %arg4[%mul3A_2, %add3A_124, %dma_start3A_150] : memref<16384x20x64xf32, #tpu.memory_space<hbm>> -> memref<512x1x64xf32, #tpu.memory_space<hbm>>
      %dma_start3A_152 = tpu.memref_squeeze %dma_start3A_151 : memref<512x1x64xf32, #tpu.memory_space<hbm>> -> memref<512x64xf32, #tpu.memory_space<hbm>>
      tpu.enqueue_dma source(%arg6 : memref<512x64xf32, #tpu.memory_space<vmem>>) target(%dma_start3A_152 : memref<512x64xf32, #tpu.memory_space<hbm>>) target_semaphore(%arg9 : memref<!tpu.dma_semaphore, #tpu.memory_space<semaphore_mem>>)
      %mul3A_153 = arith.constant 2 : i32
      %mul3A_154 = arith.muli %scan3A_119, %mul3A_153 : i32
      %add3A_155 = arith.constant 1 : i32
      %add3A_156 = arith.addi %mul3A_154, %add3A_155 : i32
      %dma_wait3A_157 = arith.constant 0 : i32
      %dma_wait3A_158 = arith.constant 0 : i32
      %dma_wait3A_159 = tpu.memref_slice %arg4[%mul3A_2, %dma_wait3A_157, %dma_wait3A_158] : memref<16384x20x64xf32, #tpu.memory_space<hbm>> -> memref<512x1x64xf32, #tpu.memory_space<hbm>>
      %dma_wait3A_160 = tpu.memref_squeeze %dma_wait3A_159 : memref<512x1x64xf32, #tpu.memory_space<hbm>> -> memref<512x64xf32, #tpu.memory_space<hbm>>
      %dma_wait3A_161 = arith.constant 0 : i32
      %dma_wait3A_162 = tpu.memref_slice %arg4[%mul3A_2, %dma_wait3A_157, %dma_wait3A_161] : memref<16384x20x64xf32, #tpu.memory_space<hbm>> -> memref<512x1x64xf32, #tpu.memory_space<hbm>>
      %dma_wait3A_163 = tpu.memref_squeeze %dma_wait3A_162 : memref<512x1x64xf32, #tpu.memory_space<hbm>> -> memref<512x64xf32, #tpu.memory_space<hbm>>
      tpu.wait_dma2 semaphore(%arg9 : memref<!tpu.dma_semaphore, #tpu.memory_space<semaphore_mem>>) src(%arg6 : memref<512x64xf32, #tpu.memory_space<vmem>>) dst(%dma_wait3A_163 : memref<512x64xf32, #tpu.memory_space<hbm>>)
      %add3A_164 = arith.constant 1 : i32
      %add3A_165 = arith.addi %add3A_156, %add3A_164 : i32
      %dma_start3A_166 = arith.constant 0 : i32
      %dma_start3A_167 = tpu.memref_slice %arg5[%add3A_165, %dma_start3A_166] : memref<20x512xi32, #tpu.memory_space<vmem>> -> memref<1x512xi32, #tpu.memory_space<vmem>>
      %dma_start3A_168 = tpu.memref_squeeze %dma_start3A_167 : memref<1x512xi32, #tpu.memory_space<vmem>> -> memref<512xi32, #tpu.memory_space<vmem>>
      %dma_start3A_169 = arith.constant 0 : i32
      %dma_start3A_170 = arith.constant 0 : i32
      %dma_start3A_171 = tpu.memref_slice %arg3[%dma_start3A_169, %dma_start3A_170] : memref<1000000x64xf32, #tpu.memory_space<hbm>> -> memref<1000000x64xf32, #tpu.memory_space<hbm>>
      tpu.enqueue_indirect_dma source(%dma_start3A_171 : memref<1000000x64xf32, #tpu.memory_space<hbm>>) target(%arg6 : memref<512x64xf32, #tpu.memory_space<vmem>>) offsets(%dma_start3A_168 : memref<512xi32, #tpu.memory_space<vmem>>) semaphore(%arg8 : memref<!tpu.dma_semaphore, #tpu.memory_space<semaphore_mem>>)
      %dma_wait3A_172 = arith.constant 0 : i32
      %dma_wait3A_173 = arith.constant 0 : i32
      %dma_wait3A_174 = tpu.memref_slice %arg5[%dma_wait3A_172, %dma_wait3A_173] : memref<20x512xi32, #tpu.memory_space<vmem>> -> memref<1x512xi32, #tpu.memory_space<vmem>>
      %dma_wait3A_175 = tpu.memref_squeeze %dma_wait3A_174 : memref<1x512xi32, #tpu.memory_space<vmem>> -> memref<512xi32, #tpu.memory_space<vmem>>
      %dma_wait3A_176 = arith.constant 0 : i32
      %dma_wait3A_177 = arith.constant 0 : i32
      %dma_wait3A_178 = tpu.memref_slice %arg3[%dma_wait3A_176, %dma_wait3A_177] : memref<1000000x64xf32, #tpu.memory_space<hbm>> -> memref<1000000x64xf32, #tpu.memory_space<hbm>>
      tpu.wait_indirect_dma semaphore(%arg8 : memref<!tpu.dma_semaphore, #tpu.memory_space<semaphore_mem>>) src(%dma_wait3A_178 : memref<1000000x64xf32, #tpu.memory_space<hbm>>) dst(%arg7 : memref<512x64xf32, #tpu.memory_space<vmem>>)
      %dma_start3A_179 = arith.constant 0 : i32
      %dma_start3A_180 = tpu.memref_slice %arg4[%mul3A_2, %add3A_156, %dma_start3A_179] : memref<16384x20x64xf32, #tpu.memory_space<hbm>> -> memref<512x1x64xf32, #tpu.memory_space<hbm>>
      %dma_start3A_181 = tpu.memref_squeeze %dma_start3A_180 : memref<512x1x64xf32, #tpu.memory_space<hbm>> -> memref<512x64xf32, #tpu.memory_space<hbm>>
      %dma_start3A_182 = arith.constant 0 : i32
      %dma_start3A_183 = tpu.memref_slice %arg4[%mul3A_2, %add3A_156, %dma_start3A_182] : memref<16384x20x64xf32, #tpu.memory_space<hbm>> -> memref<512x1x64xf32, #tpu.memory_space<hbm>>
      %dma_start3A_184 = tpu.memref_squeeze %dma_start3A_183 : memref<512x1x64xf32, #tpu.memory_space<hbm>> -> memref<512x64xf32, #tpu.memory_space<hbm>>
      tpu.enqueue_dma source(%arg7 : memref<512x64xf32, #tpu.memory_space<vmem>>) target(%dma_start3A_184 : memref<512x64xf32, #tpu.memory_space<hbm>>) target_semaphore(%arg9 : memref<!tpu.dma_semaphore, #tpu.memory_space<semaphore_mem>>)
      %scan3A_185 = arith.constant 0 : i32
      scf.yield %scan3A_185 : i32
    }
    %scan3A_62 = arith.constant 8 : i32
    %dma_wait3A_63 = arith.constant 0 : i32
    %dma_wait3A_64 = arith.constant 0 : i32
    %dma_wait3A_65 = tpu.memref_slice %arg4[%mul3A_2, %dma_wait3A_63, %dma_wait3A_64] : memref<16384x20x64xf32, #tpu.memory_space<hbm>> -> memref<512x1x64xf32, #tpu.memory_space<hbm>>
    %dma_wait3A_66 = tpu.memref_squeeze %dma_wait3A_65 : memref<512x1x64xf32, #tpu.memory_space<hbm>> -> memref<512x64xf32, #tpu.memory_space<hbm>>
    %dma_wait3A_67 = arith.constant 0 : i32
    %dma_wait3A_68 = tpu.memref_slice %arg4[%mul3A_2, %dma_wait3A_63, %dma_wait3A_67] : memref<16384x20x64xf32, #tpu.memory_space<hbm>> -> memref<512x1x64xf32, #tpu.memory_space<hbm>>
    %dma_wait3A_69 = tpu.memref_squeeze %dma_wait3A_68 : memref<512x1x64xf32, #tpu.memory_space<hbm>> -> memref<512x64xf32, #tpu.memory_space<hbm>>
    tpu.wait_dma2 semaphore(%arg9 : memref<!tpu.dma_semaphore, #tpu.memory_space<semaphore_mem>>) src(%arg7 : memref<512x64xf32, #tpu.memory_space<vmem>>) dst(%dma_wait3A_69 : memref<512x64xf32, #tpu.memory_space<hbm>>)
    %dma_start3A_70 = arith.constant 19 : i32
    %dma_start3A_71 = arith.constant 0 : i32
    %dma_start3A_72 = tpu.memref_slice %arg5[%dma_start3A_70, %dma_start3A_71] : memref<20x512xi32, #tpu.memory_space<vmem>> -> memref<1x512xi32, #tpu.memory_space<vmem>>
    %dma_start3A_73 = tpu.memref_squeeze %dma_start3A_72 : memref<1x512xi32, #tpu.memory_space<vmem>> -> memref<512xi32, #tpu.memory_space<vmem>>
    %dma_start3A_74 = arith.constant 0 : i32
    %dma_start3A_75 = arith.constant 0 : i32
    %dma_start3A_76 = tpu.memref_slice %arg3[%dma_start3A_74, %dma_start3A_75] : memref<1000000x64xf32, #tpu.memory_space<hbm>> -> memref<1000000x64xf32, #tpu.memory_space<hbm>>
    tpu.enqueue_indirect_dma source(%dma_start3A_76 : memref<1000000x64xf32, #tpu.memory_space<hbm>>) target(%arg7 : memref<512x64xf32, #tpu.memory_space<vmem>>) offsets(%dma_start3A_73 : memref<512xi32, #tpu.memory_space<vmem>>) semaphore(%arg8 : memref<!tpu.dma_semaphore, #tpu.memory_space<semaphore_mem>>)
    %dma_wait3A_77 = arith.constant 0 : i32
    %dma_wait3A_78 = arith.constant 0 : i32
    %dma_wait3A_79 = tpu.memref_slice %arg5[%dma_wait3A_77, %dma_wait3A_78] : memref<20x512xi32, #tpu.memory_space<vmem>> -> memref<1x512xi32, #tpu.memory_space<vmem>>
    %dma_wait3A_80 = tpu.memref_squeeze %dma_wait3A_79 : memref<1x512xi32, #tpu.memory_space<vmem>> -> memref<512xi32, #tpu.memory_space<vmem>>
    %dma_wait3A_81 = arith.constant 0 : i32
    %dma_wait3A_82 = arith.constant 0 : i32
    %dma_wait3A_83 = tpu.memref_slice %arg3[%dma_wait3A_81, %dma_wait3A_82] : memref<1000000x64xf32, #tpu.memory_space<hbm>> -> memref<1000000x64xf32, #tpu.memory_space<hbm>>
    tpu.wait_indirect_dma semaphore(%arg8 : memref<!tpu.dma_semaphore, #tpu.memory_space<semaphore_mem>>) src(%dma_wait3A_83 : memref<1000000x64xf32, #tpu.memory_space<hbm>>) dst(%arg6 : memref<512x64xf32, #tpu.memory_space<vmem>>)
    %dma_start3A_84 = arith.constant 18 : i32
    %dma_start3A_85 = arith.constant 0 : i32
    %dma_start3A_86 = tpu.memref_slice %arg4[%mul3A_2, %dma_start3A_84, %dma_start3A_85] : memref<16384x20x64xf32, #tpu.memory_space<hbm>> -> memref<512x1x64xf32, #tpu.memory_space<hbm>>
    %dma_start3A_87 = tpu.memref_squeeze %dma_start3A_86 : memref<512x1x64xf32, #tpu.memory_space<hbm>> -> memref<512x64xf32, #tpu.memory_space<hbm>>
    %dma_start3A_88 = arith.constant 0 : i32
    %dma_start3A_89 = tpu.memref_slice %arg4[%mul3A_2, %dma_start3A_84, %dma_start3A_88] : memref<16384x20x64xf32, #tpu.memory_space<hbm>> -> memref<512x1x64xf32, #tpu.memory_space<hbm>>
    %dma_start3A_90 = tpu.memref_squeeze %dma_start3A_89 : memref<512x1x64xf32, #tpu.memory_space<hbm>> -> memref<512x64xf32, #tpu.memory_space<hbm>>
    tpu.enqueue_dma source(%arg6 : memref<512x64xf32, #tpu.memory_space<vmem>>) target(%dma_start3A_90 : memref<512x64xf32, #tpu.memory_space<hbm>>) target_semaphore(%arg9 : memref<!tpu.dma_semaphore, #tpu.memory_space<semaphore_mem>>)
    %dma_wait3A_91 = arith.constant 0 : i32
    %dma_wait3A_92 = arith.constant 0 : i32
    %dma_wait3A_93 = tpu.memref_slice %arg4[%mul3A_2, %dma_wait3A_91, %dma_wait3A_92] : memref<16384x20x64xf32, #tpu.memory_space<hbm>> -> memref<512x1x64xf32, #tpu.memory_space<hbm>>
    %dma_wait3A_94 = tpu.memref_squeeze %dma_wait3A_93 : memref<512x1x64xf32, #tpu.memory_space<hbm>> -> memref<512x64xf32, #tpu.memory_space<hbm>>
    %dma_wait3A_95 = arith.constant 0 : i32
    %dma_wait3A_96 = tpu.memref_slice %arg4[%mul3A_2, %dma_wait3A_91, %dma_wait3A_95] : memref<16384x20x64xf32, #tpu.memory_space<hbm>> -> memref<512x1x64xf32, #tpu.memory_space<hbm>>
    %dma_wait3A_97 = tpu.memref_squeeze %dma_wait3A_96 : memref<512x1x64xf32, #tpu.memory_space<hbm>> -> memref<512x64xf32, #tpu.memory_space<hbm>>
    tpu.wait_dma2 semaphore(%arg9 : memref<!tpu.dma_semaphore, #tpu.memory_space<semaphore_mem>>) src(%arg6 : memref<512x64xf32, #tpu.memory_space<vmem>>) dst(%dma_wait3A_97 : memref<512x64xf32, #tpu.memory_space<hbm>>)
    %dma_wait3A_98 = arith.constant 0 : i32
    %dma_wait3A_99 = arith.constant 0 : i32
    %dma_wait3A_100 = tpu.memref_slice %arg5[%dma_wait3A_98, %dma_wait3A_99] : memref<20x512xi32, #tpu.memory_space<vmem>> -> memref<1x512xi32, #tpu.memory_space<vmem>>
    %dma_wait3A_101 = tpu.memref_squeeze %dma_wait3A_100 : memref<1x512xi32, #tpu.memory_space<vmem>> -> memref<512xi32, #tpu.memory_space<vmem>>
    %dma_wait3A_102 = arith.constant 0 : i32
    %dma_wait3A_103 = arith.constant 0 : i32
    %dma_wait3A_104 = tpu.memref_slice %arg3[%dma_wait3A_102, %dma_wait3A_103] : memref<1000000x64xf32, #tpu.memory_space<hbm>> -> memref<1000000x64xf32, #tpu.memory_space<hbm>>
    tpu.wait_indirect_dma semaphore(%arg8 : memref<!tpu.dma_semaphore, #tpu.memory_space<semaphore_mem>>) src(%dma_wait3A_104 : memref<1000000x64xf32, #tpu.memory_space<hbm>>) dst(%arg7 : memref<512x64xf32, #tpu.memory_space<vmem>>)
    %dma_start3A_105 = arith.constant 19 : i32
    %dma_start3A_106 = arith.constant 0 : i32
    %dma_start3A_107 = tpu.memref_slice %arg4[%mul3A_2, %dma_start3A_105, %dma_start3A_106] : memref<16384x20x64xf32, #tpu.memory_space<hbm>> -> memref<512x1x64xf32, #tpu.memory_space<hbm>>
    %dma_start3A_108 = tpu.memref_squeeze %dma_start3A_107 : memref<512x1x64xf32, #tpu.memory_space<hbm>> -> memref<512x64xf32, #tpu.memory_space<hbm>>
    %dma_start3A_109 = arith.constant 0 : i32
    %dma_start3A_110 = tpu.memref_slice %arg4[%mul3A_2, %dma_start3A_105, %dma_start3A_109] : memref<16384x20x64xf32, #tpu.memory_space<hbm>> -> memref<512x1x64xf32, #tpu.memory_space<hbm>>
    %dma_start3A_111 = tpu.memref_squeeze %dma_start3A_110 : memref<512x1x64xf32, #tpu.memory_space<hbm>> -> memref<512x64xf32, #tpu.memory_space<hbm>>
    tpu.enqueue_dma source(%arg7 : memref<512x64xf32, #tpu.memory_space<vmem>>) target(%dma_start3A_111 : memref<512x64xf32, #tpu.memory_space<hbm>>) target_semaphore(%arg9 : memref<!tpu.dma_semaphore, #tpu.memory_space<semaphore_mem>>)
    %dma_wait3A_112 = arith.constant 0 : i32
    %dma_wait3A_113 = arith.constant 0 : i32
    %dma_wait3A_114 = tpu.memref_slice %arg4[%mul3A_2, %dma_wait3A_112, %dma_wait3A_113] : memref<16384x20x64xf32, #tpu.memory_space<hbm>> -> memref<512x1x64xf32, #tpu.memory_space<hbm>>
    %dma_wait3A_115 = tpu.memref_squeeze %dma_wait3A_114 : memref<512x1x64xf32, #tpu.memory_space<hbm>> -> memref<512x64xf32, #tpu.memory_space<hbm>>
    %dma_wait3A_116 = arith.constant 0 : i32
    %dma_wait3A_117 = tpu.memref_slice %arg4[%mul3A_2, %dma_wait3A_112, %dma_wait3A_116] : memref<16384x20x64xf32, #tpu.memory_space<hbm>> -> memref<512x1x64xf32, #tpu.memory_space<hbm>>
    %dma_wait3A_118 = tpu.memref_squeeze %dma_wait3A_117 : memref<512x1x64xf32, #tpu.memory_space<hbm>> -> memref<512x64xf32, #tpu.memory_space<hbm>>
    tpu.wait_dma2 semaphore(%arg9 : memref<!tpu.dma_semaphore, #tpu.memory_space<semaphore_mem>>) src(%arg7 : memref<512x64xf32, #tpu.memory_space<vmem>>) dst(%dma_wait3A_118 : memref<512x64xf32, #tpu.memory_space<hbm>>)
    return
  }
}

#map = affine_map<(d0, d1) -> (0, 0)>
#map1 = affine_map<(d0, d1) -> (0, 0, 0)>
module attributes {stable_mosaic.version = 14 : i64} {
  func.func @k(%arg0: i32, %arg1: i32, %arg2: memref<20x16384xi32, #tpu.memory_space<hbm>>, %arg3: memref<1000x64xf32, #tpu.memory_space<hbm>>, %arg4: memref<16384x20x64xf32, #tpu.memory_space<hbm>>, %arg5: memref<20x512xi32, #tpu.memory_space<vmem>>, %arg6: memref<512x64xf32, #tpu.memory_space<vmem>>, %arg7: memref<512x64xf32, #tpu.memory_space<vmem>>, %arg8: memref<!tpu.dma_semaphore, #tpu.memory_space<semaphore_mem>>, %arg9: memref<!tpu.dma_semaphore, #tpu.memory_space<semaphore_mem>>) attributes {dimension_semantics = [#tpu.dimension_semantics<core_parallel>, #tpu.dimension_semantics<subcore_parallel>], iteration_bounds = array<i64: 2, 16>, scalar_prefetch = 0 : i64, scratch_operands = 5 : i64, tpu.core_type = #tpu.core_type<sc_vector_subcore>, window_params = [{transform_indices = #map}, {transform_indices = #map}, {transform_indices = #map1}]} {
    %mul3A = arith.constant 2 : i32
    %mul3A_0 = arith.muli %arg1, %mul3A : i32
    %add3A = arith.addi %mul3A_0, %arg0 : i32
    %mul3A_1 = arith.constant 512 : i32
    %mul3A_2 = arith.muli %add3A, %mul3A_1 : i32
    "tpu.region"() ({
      %run_scoped3A = tpu.sem_alloc : memref<!tpu.dma_semaphore, #tpu.memory_space<semaphore_mem>>
      %dma_start3A_119 = arith.constant 0 : i32
      %dma_start3A_120 = tpu.memref_slice %arg2[%dma_start3A_119, %mul3A_2] : memref<20x16384xi32, #tpu.memory_space<hbm>> -> memref<20x512xi32, #tpu.memory_space<hbm>>
      %dma_start3A_121 = arith.constant 0 : i32
      %dma_start3A_122 = tpu.memref_slice %arg2[%dma_start3A_121, %mul3A_2] : memref<20x16384xi32, #tpu.memory_space<hbm>> -> memref<20x512xi32, #tpu.memory_space<hbm>>
      tpu.enqueue_dma source(%dma_start3A_122 : memref<20x512xi32, #tpu.memory_space<hbm>>) target(%arg5 : memref<20x512xi32, #tpu.memory_space<vmem>>) target_semaphore(%run_scoped3A : memref<!tpu.dma_semaphore, #tpu.memory_space<semaphore_mem>>)
      %dma_wait3A_123 = arith.constant 0 : i32
      %dma_wait3A_124 = tpu.memref_slice %arg2[%dma_wait3A_123, %mul3A_2] : memref<20x16384xi32, #tpu.memory_space<hbm>> -> memref<20x512xi32, #tpu.memory_space<hbm>>
      %dma_wait3A_125 = arith.constant 0 : i32
      %dma_wait3A_126 = tpu.memref_slice %arg2[%dma_wait3A_125, %mul3A_2] : memref<20x16384xi32, #tpu.memory_space<hbm>> -> memref<20x512xi32, #tpu.memory_space<hbm>>
      tpu.wait_dma2 semaphore(%run_scoped3A : memref<!tpu.dma_semaphore, #tpu.memory_space<semaphore_mem>>) src(%dma_wait3A_126 : memref<20x512xi32, #tpu.memory_space<hbm>>) dst(%arg5 : memref<20x512xi32, #tpu.memory_space<vmem>>)
      tpu.yield
    }) : () -> ()
    %dma_start3A = arith.constant 0 : i32
    %dma_start3A_3 = arith.constant 0 : i32
    %dma_start3A_4 = tpu.memref_slice %arg5[%dma_start3A, %dma_start3A_3] : memref<20x512xi32, #tpu.memory_space<vmem>> -> memref<1x512xi32, #tpu.memory_space<vmem>>
    %dma_start3A_5 = tpu.memref_squeeze %dma_start3A_4 : memref<1x512xi32, #tpu.memory_space<vmem>> -> memref<512xi32, #tpu.memory_space<vmem>>
    %dma_start3A_6 = arith.constant 0 : i32
    %dma_start3A_7 = arith.constant 0 : i32
    %dma_start3A_8 = tpu.memref_slice %arg3[%dma_start3A_6, %dma_start3A_7] : memref<1000x64xf32, #tpu.memory_space<hbm>> -> memref<1000x64xf32, #tpu.memory_space<hbm>>
    tpu.enqueue_indirect_dma source(%dma_start3A_8 : memref<1000x64xf32, #tpu.memory_space<hbm>>) target(%arg6 : memref<512x64xf32, #tpu.memory_space<vmem>>) offsets(%dma_start3A_5 : memref<512xi32, #tpu.memory_space<vmem>>) semaphore(%arg8 : memref<!tpu.dma_semaphore, #tpu.memory_space<semaphore_mem>>)
    %dma_start3A_9 = arith.constant 1 : i32
    %dma_start3A_10 = arith.constant 0 : i32
    %dma_start3A_11 = tpu.memref_slice %arg5[%dma_start3A_9, %dma_start3A_10] : memref<20x512xi32, #tpu.memory_space<vmem>> -> memref<1x512xi32, #tpu.memory_space<vmem>>
    %dma_start3A_12 = tpu.memref_squeeze %dma_start3A_11 : memref<1x512xi32, #tpu.memory_space<vmem>> -> memref<512xi32, #tpu.memory_space<vmem>>
    %dma_start3A_13 = arith.constant 0 : i32
    %dma_start3A_14 = arith.constant 0 : i32
    %dma_start3A_15 = tpu.memref_slice %arg3[%dma_start3A_13, %dma_start3A_14] : memref<1000x64xf32, #tpu.memory_space<hbm>> -> memref<1000x64xf32, #tpu.memory_space<hbm>>
    tpu.enqueue_indirect_dma source(%dma_start3A_15 : memref<1000x64xf32, #tpu.memory_space<hbm>>) target(%arg7 : memref<512x64xf32, #tpu.memory_space<vmem>>) offsets(%dma_start3A_12 : memref<512xi32, #tpu.memory_space<vmem>>) semaphore(%arg8 : memref<!tpu.dma_semaphore, #tpu.memory_space<semaphore_mem>>)
    %dma_wait3A = arith.constant 0 : i32
    %dma_wait3A_16 = arith.constant 0 : i32
    %dma_wait3A_17 = tpu.memref_slice %arg5[%dma_wait3A, %dma_wait3A_16] : memref<20x512xi32, #tpu.memory_space<vmem>> -> memref<1x512xi32, #tpu.memory_space<vmem>>
    %dma_wait3A_18 = tpu.memref_squeeze %dma_wait3A_17 : memref<1x512xi32, #tpu.memory_space<vmem>> -> memref<512xi32, #tpu.memory_space<vmem>>
    %dma_wait3A_19 = arith.constant 0 : i32
    %dma_wait3A_20 = arith.constant 0 : i32
    %dma_wait3A_21 = tpu.memref_slice %arg3[%dma_wait3A_19, %dma_wait3A_20] : memref<1000x64xf32, #tpu.memory_space<hbm>> -> memref<1000x64xf32, #tpu.memory_space<hbm>>
    tpu.wait_indirect_dma semaphore(%arg8 : memref<!tpu.dma_semaphore, #tpu.memory_space<semaphore_mem>>) src(%dma_wait3A_21 : memref<1000x64xf32, #tpu.memory_space<hbm>>) dst(%arg6 : memref<512x64xf32, #tpu.memory_space<vmem>>)
    %dma_start3A_22 = arith.constant 0 : i32
    %dma_start3A_23 = arith.constant 0 : i32
    %dma_start3A_24 = tpu.memref_slice %arg4[%mul3A_2, %dma_start3A_22, %dma_start3A_23] : memref<16384x20x64xf32, #tpu.memory_space<hbm>> -> memref<512x1x64xf32, #tpu.memory_space<hbm>>
    %dma_start3A_25 = tpu.memref_squeeze %dma_start3A_24 : memref<512x1x64xf32, #tpu.memory_space<hbm>> -> memref<512x64xf32, #tpu.memory_space<hbm>>
    %dma_start3A_26 = arith.constant 0 : i32
    %dma_start3A_27 = tpu.memref_slice %arg4[%mul3A_2, %dma_start3A_22, %dma_start3A_26] : memref<16384x20x64xf32, #tpu.memory_space<hbm>> -> memref<512x1x64xf32, #tpu.memory_space<hbm>>
    %dma_start3A_28 = tpu.memref_squeeze %dma_start3A_27 : memref<512x1x64xf32, #tpu.memory_space<hbm>> -> memref<512x64xf32, #tpu.memory_space<hbm>>
    tpu.enqueue_dma source(%arg6 : memref<512x64xf32, #tpu.memory_space<vmem>>) target(%dma_start3A_28 : memref<512x64xf32, #tpu.memory_space<hbm>>) target_semaphore(%arg9 : memref<!tpu.dma_semaphore, #tpu.memory_space<semaphore_mem>>)
    %dma_wait3A_29 = arith.constant 0 : i32
    %dma_wait3A_30 = arith.constant 0 : i32
    %dma_wait3A_31 = tpu.memref_slice %arg4[%mul3A_2, %dma_wait3A_29, %dma_wait3A_30] : memref<16384x20x64xf32, #tpu.memory_space<hbm>> -> memref<512x1x64xf32, #tpu.memory_space<hbm>>
    %dma_wait3A_32 = tpu.memref_squeeze %dma_wait3A_31 : memref<512x1x64xf32, #tpu.memory_space<hbm>> -> memref<512x64xf32, #tpu.memory_space<hbm>>
    %dma_wait3A_33 = arith.constant 0 : i32
    %dma_wait3A_34 = tpu.memref_slice %arg4[%mul3A_2, %dma_wait3A_29, %dma_wait3A_33] : memref<16384x20x64xf32, #tpu.memory_space<hbm>> -> memref<512x1x64xf32, #tpu.memory_space<hbm>>
    %dma_wait3A_35 = tpu.memref_squeeze %dma_wait3A_34 : memref<512x1x64xf32, #tpu.memory_space<hbm>> -> memref<512x64xf32, #tpu.memory_space<hbm>>
    tpu.wait_dma2 semaphore(%arg9 : memref<!tpu.dma_semaphore, #tpu.memory_space<semaphore_mem>>) src(%arg6 : memref<512x64xf32, #tpu.memory_space<vmem>>) dst(%dma_wait3A_35 : memref<512x64xf32, #tpu.memory_space<hbm>>)
    %dma_start3A_36 = arith.constant 2 : i32
    %dma_start3A_37 = arith.constant 0 : i32
    %dma_start3A_38 = tpu.memref_slice %arg5[%dma_start3A_36, %dma_start3A_37] : memref<20x512xi32, #tpu.memory_space<vmem>> -> memref<1x512xi32, #tpu.memory_space<vmem>>
    %dma_start3A_39 = tpu.memref_squeeze %dma_start3A_38 : memref<1x512xi32, #tpu.memory_space<vmem>> -> memref<512xi32, #tpu.memory_space<vmem>>
    %dma_start3A_40 = arith.constant 0 : i32
    %dma_start3A_41 = arith.constant 0 : i32
    %dma_start3A_42 = tpu.memref_slice %arg3[%dma_start3A_40, %dma_start3A_41] : memref<1000x64xf32, #tpu.memory_space<hbm>> -> memref<1000x64xf32, #tpu.memory_space<hbm>>
    tpu.enqueue_indirect_dma source(%dma_start3A_42 : memref<1000x64xf32, #tpu.memory_space<hbm>>) target(%arg6 : memref<512x64xf32, #tpu.memory_space<vmem>>) offsets(%dma_start3A_39 : memref<512xi32, #tpu.memory_space<vmem>>) semaphore(%arg8 : memref<!tpu.dma_semaphore, #tpu.memory_space<semaphore_mem>>)
    %dma_wait3A_43 = arith.constant 0 : i32
    %dma_wait3A_44 = arith.constant 0 : i32
    %dma_wait3A_45 = tpu.memref_slice %arg5[%dma_wait3A_43, %dma_wait3A_44] : memref<20x512xi32, #tpu.memory_space<vmem>> -> memref<1x512xi32, #tpu.memory_space<vmem>>
    %dma_wait3A_46 = tpu.memref_squeeze %dma_wait3A_45 : memref<1x512xi32, #tpu.memory_space<vmem>> -> memref<512xi32, #tpu.memory_space<vmem>>
    %dma_wait3A_47 = arith.constant 0 : i32
    %dma_wait3A_48 = arith.constant 0 : i32
    %dma_wait3A_49 = tpu.memref_slice %arg3[%dma_wait3A_47, %dma_wait3A_48] : memref<1000x64xf32, #tpu.memory_space<hbm>> -> memref<1000x64xf32, #tpu.memory_space<hbm>>
    tpu.wait_indirect_dma semaphore(%arg8 : memref<!tpu.dma_semaphore, #tpu.memory_space<semaphore_mem>>) src(%dma_wait3A_49 : memref<1000x64xf32, #tpu.memory_space<hbm>>) dst(%arg7 : memref<512x64xf32, #tpu.memory_space<vmem>>)
    %dma_start3A_50 = arith.constant 1 : i32
    %dma_start3A_51 = arith.constant 0 : i32
    %dma_start3A_52 = tpu.memref_slice %arg4[%mul3A_2, %dma_start3A_50, %dma_start3A_51] : memref<16384x20x64xf32, #tpu.memory_space<hbm>> -> memref<512x1x64xf32, #tpu.memory_space<hbm>>
    %dma_start3A_53 = tpu.memref_squeeze %dma_start3A_52 : memref<512x1x64xf32, #tpu.memory_space<hbm>> -> memref<512x64xf32, #tpu.memory_space<hbm>>
    %dma_start3A_54 = arith.constant 0 : i32
    %dma_start3A_55 = tpu.memref_slice %arg4[%mul3A_2, %dma_start3A_50, %dma_start3A_54] : memref<16384x20x64xf32, #tpu.memory_space<hbm>> -> memref<512x1x64xf32, #tpu.memory_space<hbm>>
    %dma_start3A_56 = tpu.memref_squeeze %dma_start3A_55 : memref<512x1x64xf32, #tpu.memory_space<hbm>> -> memref<512x64xf32, #tpu.memory_space<hbm>>
    tpu.enqueue_dma source(%arg7 : memref<512x64xf32, #tpu.memory_space<vmem>>) target(%dma_start3A_56 : memref<512x64xf32, #tpu.memory_space<hbm>>) target_semaphore(%arg9 : memref<!tpu.dma_semaphore, #tpu.memory_space<semaphore_mem>>)
    %scan3A = arith.constant 0 : i32
    %scan3A_57 = arith.constant 1 : i32
    %scan3A_58 = arith.constant 8 : i32
    %scan3A_59 = arith.addi %scan3A_57, %scan3A_58 : i32
    %scan3A_60 = arith.constant 1 : i32
    %scan3A_61 = scf.for %scan3A_119 = %scan3A_57 to %scan3A_59 step %scan3A_60 iter_args(%scan3A_120 = %scan3A) -> (i32)  : i32 {
      %mul3A_121 = arith.constant 2 : i32
      %mul3A_122 = arith.muli %scan3A_119, %mul3A_121 : i32
      %add3A_123 = arith.constant 0 : i32
      %add3A_124 = arith.addi %mul3A_122, %add3A_123 : i32
      %dma_wait3A_125 = arith.constant 0 : i32
      %dma_wait3A_126 = arith.constant 0 : i32
      %dma_wait3A_127 = tpu.memref_slice %arg4[%mul3A_2, %dma_wait3A_125, %dma_wait3A_126] : memref<16384x20x64xf32, #tpu.memory_space<hbm>> -> memref<512x1x64xf32, #tpu.memory_space<hbm>>
      %dma_wait3A_128 = tpu.memref_squeeze %dma_wait3A_127 : memref<512x1x64xf32, #tpu.memory_space<hbm>> -> memref<512x64xf32, #tpu.memory_space<hbm>>
      %dma_wait3A_129 = arith.constant 0 : i32
      %dma_wait3A_130 = tpu.memref_slice %arg4[%mul3A_2, %dma_wait3A_125, %dma_wait3A_129] : memref<16384x20x64xf32, #tpu.memory_space<hbm>> -> memref<512x1x64xf32, #tpu.memory_space<hbm>>
      %dma_wait3A_131 = tpu.memref_squeeze %dma_wait3A_130 : memref<512x1x64xf32, #tpu.memory_space<hbm>> -> memref<512x64xf32, #tpu.memory_space<hbm>>
      tpu.wait_dma2 semaphore(%arg9 : memref<!tpu.dma_semaphore, #tpu.memory_space<semaphore_mem>>) src(%arg7 : memref<512x64xf32, #tpu.memory_space<vmem>>) dst(%dma_wait3A_131 : memref<512x64xf32, #tpu.memory_space<hbm>>)
      %add3A_132 = arith.constant 1 : i32
      %add3A_133 = arith.addi %add3A_124, %add3A_132 : i32
      %dma_start3A_134 = arith.constant 0 : i32
      %dma_start3A_135 = tpu.memref_slice %arg5[%add3A_133, %dma_start3A_134] : memref<20x512xi32, #tpu.memory_space<vmem>> -> memref<1x512xi32, #tpu.memory_space<vmem>>
      %dma_start3A_136 = tpu.memref_squeeze %dma_start3A_135 : memref<1x512xi32, #tpu.memory_space<vmem>> -> memref<512xi32, #tpu.memory_space<vmem>>
      %dma_start3A_137 = arith.constant 0 : i32
      %dma_start3A_138 = arith.constant 0 : i32
      %dma_start3A_139 = tpu.memref_slice %arg3[%dma_start3A_137, %dma_start3A_138] : memref<1000x64xf32, #tpu.memory_space<hbm>> -> memref<1000x64xf32, #tpu.memory_space<hbm>>
      tpu.enqueue_indirect_dma source(%dma_start3A_139 : memref<1000x64xf32, #tpu.memory_space<hbm>>) target(%arg7 : memref<512x64xf32, #tpu.memory_space<vmem>>) offsets(%dma_start3A_136 : memref<512xi32, #tpu.memory_space<vmem>>) semaphore(%arg8 : memref<!tpu.dma_semaphore, #tpu.memory_space<semaphore_mem>>)
      %dma_wait3A_140 = arith.constant 0 : i32
      %dma_wait3A_141 = arith.constant 0 : i32
      %dma_wait3A_142 = tpu.memref_slice %arg5[%dma_wait3A_140, %dma_wait3A_141] : memref<20x512xi32, #tpu.memory_space<vmem>> -> memref<1x512xi32, #tpu.memory_space<vmem>>
      %dma_wait3A_143 = tpu.memref_squeeze %dma_wait3A_142 : memref<1x512xi32, #tpu.memory_space<vmem>> -> memref<512xi32, #tpu.memory_space<vmem>>
      %dma_wait3A_144 = arith.constant 0 : i32
      %dma_wait3A_145 = arith.constant 0 : i32
      %dma_wait3A_146 = tpu.memref_slice %arg3[%dma_wait3A_144, %dma_wait3A_145] : memref<1000x64xf32, #tpu.memory_space<hbm>> -> memref<1000x64xf32, #tpu.memory_space<hbm>>
      tpu.wait_indirect_dma semaphore(%arg8 : memref<!tpu.dma_semaphore, #tpu.memory_space<semaphore_mem>>) src(%dma_wait3A_146 : memref<1000x64xf32, #tpu.memory_space<hbm>>) dst(%arg6 : memref<512x64xf32, #tpu.memory_space<vmem>>)
      %dma_start3A_147 = arith.constant 0 : i32
      %dma_start3A_148 = tpu.memref_slice %arg4[%mul3A_2, %add3A_124, %dma_start3A_147] : memref<16384x20x64xf32, #tpu.memory_space<hbm>> -> memref<512x1x64xf32, #tpu.memory_space<hbm>>
      %dma_start3A_149 = tpu.memref_squeeze %dma_start3A_148 : memref<512x1x64xf32, #tpu.memory_space<hbm>> -> memref<512x64xf32, #tpu.memory_space<hbm>>
      %dma_start3A_150 = arith.constant 0 : i32
      %dma_start3A_151 = tpu.memref_slice %arg4[%mul3A_2, %add3A_124, %dma_start3A_150] : memref<16384x20x64xf32, #tpu.memory_space<hbm>> -> memref<512x1x64xf32, #tpu.memory_space<hbm>>
      %dma_start3A_152 = tpu.memref_squeeze %dma_start3A_151 : memref<512x1x64xf32, #tpu.memory_space<hbm>> -> memref<512x64xf32, #tpu.memory_space<hbm>>
      tpu.enqueue_dma source(%arg6 : memref<512x64xf32, #tpu.memory_space<vmem>>) target(%dma_start3A_152 : memref<512x64xf32, #tpu.memory_space<hbm>>) target_semaphore(%arg9 : memref<!tpu.dma_semaphore, #tpu.memory_space<semaphore_mem>>)
      %mul3A_153 = arith.constant 2 : i32
      %mul3A_154 = arith.muli %scan3A_119, %mul3A_153 : i32
      %add3A_155 = arith.constant 1 : i32
      %add3A_156 = arith.addi %mul3A_154, %add3A_155 : i32
      %dma_wait3A_157 = arith.constant 0 : i32
      %dma_wait3A_158 = arith.constant 0 : i32
      %dma_wait3A_159 = tpu.memref_slice %arg4[%mul3A_2, %dma_wait3A_157, %dma_wait3A_158] : memref<16384x20x64xf32, #tpu.memory_space<hbm>> -> memref<512x1x64xf32, #tpu.memory_space<hbm>>
      %dma_wait3A_160 = tpu.memref_squeeze %dma_wait3A_159 : memref<512x1x64xf32, #tpu.memory_space<hbm>> -> memref<512x64xf32, #tpu.memory_space<hbm>>
      %dma_wait3A_161 = arith.constant 0 : i32
      %dma_wait3A_162 = tpu.memref_slice %arg4[%mul3A_2, %dma_wait3A_157, %dma_wait3A_161] : memref<16384x20x64xf32, #tpu.memory_space<hbm>> -> memref<512x1x64xf32, #tpu.memory_space<hbm>>
      %dma_wait3A_163 = tpu.memref_squeeze %dma_wait3A_162 : memref<512x1x64xf32, #tpu.memory_space<hbm>> -> memref<512x64xf32, #tpu.memory_space<hbm>>
      tpu.wait_dma2 semaphore(%arg9 : memref<!tpu.dma_semaphore, #tpu.memory_space<semaphore_mem>>) src(%arg6 : memref<512x64xf32, #tpu.memory_space<vmem>>) dst(%dma_wait3A_163 : memref<512x64xf32, #tpu.memory_space<hbm>>)
      %add3A_164 = arith.constant 1 : i32
      %add3A_165 = arith.addi %add3A_156, %add3A_164 : i32
      %dma_start3A_166 = arith.constant 0 : i32
      %dma_start3A_167 = tpu.memref_slice %arg5[%add3A_165, %dma_start3A_166] : memref<20x512xi32, #tpu.memory_space<vmem>> -> memref<1x512xi32, #tpu.memory_space<vmem>>
      %dma_start3A_168 = tpu.memref_squeeze %dma_start3A_167 : memref<1x512xi32, #tpu.memory_space<vmem>> -> memref<512xi32, #tpu.memory_space<vmem>>
      %dma_start3A_169 = arith.constant 0 : i32
      %dma_start3A_170 = arith.constant 0 : i32
      %dma_start3A_171 = tpu.memref_slice %arg3[%dma_start3A_169, %dma_start3A_170] : memref<1000x64xf32, #tpu.memory_space<hbm>> -> memref<1000x64xf32, #tpu.memory_space<hbm>>
      tpu.enqueue_indirect_dma source(%dma_start3A_171 : memref<1000x64xf32, #tpu.memory_space<hbm>>) target(%arg6 : memref<512x64xf32, #tpu.memory_space<vmem>>) offsets(%dma_start3A_168 : memref<512xi32, #tpu.memory_space<vmem>>) semaphore(%arg8 : memref<!tpu.dma_semaphore, #tpu.memory_space<semaphore_mem>>)
      %dma_wait3A_172 = arith.constant 0 : i32
      %dma_wait3A_173 = arith.constant 0 : i32
      %dma_wait3A_174 = tpu.memref_slice %arg5[%dma_wait3A_172, %dma_wait3A_173] : memref<20x512xi32, #tpu.memory_space<vmem>> -> memref<1x512xi32, #tpu.memory_space<vmem>>
      %dma_wait3A_175 = tpu.memref_squeeze %dma_wait3A_174 : memref<1x512xi32, #tpu.memory_space<vmem>> -> memref<512xi32, #tpu.memory_space<vmem>>
      %dma_wait3A_176 = arith.constant 0 : i32
      %dma_wait3A_177 = arith.constant 0 : i32
      %dma_wait3A_178 = tpu.memref_slice %arg3[%dma_wait3A_176, %dma_wait3A_177] : memref<1000x64xf32, #tpu.memory_space<hbm>> -> memref<1000x64xf32, #tpu.memory_space<hbm>>
      tpu.wait_indirect_dma semaphore(%arg8 : memref<!tpu.dma_semaphore, #tpu.memory_space<semaphore_mem>>) src(%dma_wait3A_178 : memref<1000x64xf32, #tpu.memory_space<hbm>>) dst(%arg7 : memref<512x64xf32, #tpu.memory_space<vmem>>)
      %dma_start3A_179 = arith.constant 0 : i32
      %dma_start3A_180 = tpu.memref_slice %arg4[%mul3A_2, %add3A_156, %dma_start3A_179] : memref<16384x20x64xf32, #tpu.memory_space<hbm>> -> memref<512x1x64xf32, #tpu.memory_space<hbm>>
      %dma_start3A_181 = tpu.memref_squeeze %dma_start3A_180 : memref<512x1x64xf32, #tpu.memory_space<hbm>> -> memref<512x64xf32, #tpu.memory_space<hbm>>
      %dma_start3A_182 = arith.constant 0 : i32
      %dma_start3A_183 = tpu.memref_slice %arg4[%mul3A_2, %add3A_156, %dma_start3A_182] : memref<16384x20x64xf32, #tpu.memory_space<hbm>> -> memref<512x1x64xf32, #tpu.memory_space<hbm>>
      %dma_start3A_184 = tpu.memref_squeeze %dma_start3A_183 : memref<512x1x64xf32, #tpu.memory_space<hbm>> -> memref<512x64xf32, #tpu.memory_space<hbm>>
      tpu.enqueue_dma source(%arg7 : memref<512x64xf32, #tpu.memory_space<vmem>>) target(%dma_start3A_184 : memref<512x64xf32, #tpu.memory_space<hbm>>) target_semaphore(%arg9 : memref<!tpu.dma_semaphore, #tpu.memory_space<semaphore_mem>>)
      %scan3A_185 = arith.constant 0 : i32
      scf.yield %scan3A_185 : i32
    }
    %scan3A_62 = arith.constant 8 : i32
    %dma_wait3A_63 = arith.constant 0 : i32
    %dma_wait3A_64 = arith.constant 0 : i32
    %dma_wait3A_65 = tpu.memref_slice %arg4[%mul3A_2, %dma_wait3A_63, %dma_wait3A_64] : memref<16384x20x64xf32, #tpu.memory_space<hbm>> -> memref<512x1x64xf32, #tpu.memory_space<hbm>>
    %dma_wait3A_66 = tpu.memref_squeeze %dma_wait3A_65 : memref<512x1x64xf32, #tpu.memory_space<hbm>> -> memref<512x64xf32, #tpu.memory_space<hbm>>
    %dma_wait3A_67 = arith.constant 0 : i32
    %dma_wait3A_68 = tpu.memref_slice %arg4[%mul3A_2, %dma_wait3A_63, %dma_wait3A_67] : memref<16384x20x64xf32, #tpu.memory_space<hbm>> -> memref<512x1x64xf32, #tpu.memory_space<hbm>>
    %dma_wait3A_69 = tpu.memref_squeeze %dma_wait3A_68 : memref<512x1x64xf32, #tpu.memory_space<hbm>> -> memref<512x64xf32, #tpu.memory_space<hbm>>
    tpu.wait_dma2 semaphore(%arg9 : memref<!tpu.dma_semaphore, #tpu.memory_space<semaphore_mem>>) src(%arg7 : memref<512x64xf32, #tpu.memory_space<vmem>>) dst(%dma_wait3A_69 : memref<512x64xf32, #tpu.memory_space<hbm>>)
    %dma_start3A_70 = arith.constant 19 : i32
    %dma_start3A_71 = arith.constant 0 : i32
    %dma_start3A_72 = tpu.memref_slice %arg5[%dma_start3A_70, %dma_start3A_71] : memref<20x512xi32, #tpu.memory_space<vmem>> -> memref<1x512xi32, #tpu.memory_space<vmem>>
    %dma_start3A_73 = tpu.memref_squeeze %dma_start3A_72 : memref<1x512xi32, #tpu.memory_space<vmem>> -> memref<512xi32, #tpu.memory_space<vmem>>
    %dma_start3A_74 = arith.constant 0 : i32
    %dma_start3A_75 = arith.constant 0 : i32
    %dma_start3A_76 = tpu.memref_slice %arg3[%dma_start3A_74, %dma_start3A_75] : memref<1000x64xf32, #tpu.memory_space<hbm>> -> memref<1000x64xf32, #tpu.memory_space<hbm>>
    tpu.enqueue_indirect_dma source(%dma_start3A_76 : memref<1000x64xf32, #tpu.memory_space<hbm>>) target(%arg7 : memref<512x64xf32, #tpu.memory_space<vmem>>) offsets(%dma_start3A_73 : memref<512xi32, #tpu.memory_space<vmem>>) semaphore(%arg8 : memref<!tpu.dma_semaphore, #tpu.memory_space<semaphore_mem>>)
    %dma_wait3A_77 = arith.constant 0 : i32
    %dma_wait3A_78 = arith.constant 0 : i32
    %dma_wait3A_79 = tpu.memref_slice %arg5[%dma_wait3A_77, %dma_wait3A_78] : memref<20x512xi32, #tpu.memory_space<vmem>> -> memref<1x512xi32, #tpu.memory_space<vmem>>
    %dma_wait3A_80 = tpu.memref_squeeze %dma_wait3A_79 : memref<1x512xi32, #tpu.memory_space<vmem>> -> memref<512xi32, #tpu.memory_space<vmem>>
    %dma_wait3A_81 = arith.constant 0 : i32
    %dma_wait3A_82 = arith.constant 0 : i32
    %dma_wait3A_83 = tpu.memref_slice %arg3[%dma_wait3A_81, %dma_wait3A_82] : memref<1000x64xf32, #tpu.memory_space<hbm>> -> memref<1000x64xf32, #tpu.memory_space<hbm>>
    tpu.wait_indirect_dma semaphore(%arg8 : memref<!tpu.dma_semaphore, #tpu.memory_space<semaphore_mem>>) src(%dma_wait3A_83 : memref<1000x64xf32, #tpu.memory_space<hbm>>) dst(%arg6 : memref<512x64xf32, #tpu.memory_space<vmem>>)
    %dma_start3A_84 = arith.constant 18 : i32
    %dma_start3A_85 = arith.constant 0 : i32
    %dma_start3A_86 = tpu.memref_slice %arg4[%mul3A_2, %dma_start3A_84, %dma_start3A_85] : memref<16384x20x64xf32, #tpu.memory_space<hbm>> -> memref<512x1x64xf32, #tpu.memory_space<hbm>>
    %dma_start3A_87 = tpu.memref_squeeze %dma_start3A_86 : memref<512x1x64xf32, #tpu.memory_space<hbm>> -> memref<512x64xf32, #tpu.memory_space<hbm>>
    %dma_start3A_88 = arith.constant 0 : i32
    %dma_start3A_89 = tpu.memref_slice %arg4[%mul3A_2, %dma_start3A_84, %dma_start3A_88] : memref<16384x20x64xf32, #tpu.memory_space<hbm>> -> memref<512x1x64xf32, #tpu.memory_space<hbm>>
    %dma_start3A_90 = tpu.memref_squeeze %dma_start3A_89 : memref<512x1x64xf32, #tpu.memory_space<hbm>> -> memref<512x64xf32, #tpu.memory_space<hbm>>
    tpu.enqueue_dma source(%arg6 : memref<512x64xf32, #tpu.memory_space<vmem>>) target(%dma_start3A_90 : memref<512x64xf32, #tpu.memory_space<hbm>>) target_semaphore(%arg9 : memref<!tpu.dma_semaphore, #tpu.memory_space<semaphore_mem>>)
    %dma_wait3A_91 = arith.constant 0 : i32
    %dma_wait3A_92 = arith.constant 0 : i32
    %dma_wait3A_93 = tpu.memref_slice %arg4[%mul3A_2, %dma_wait3A_91, %dma_wait3A_92] : memref<16384x20x64xf32, #tpu.memory_space<hbm>> -> memref<512x1x64xf32, #tpu.memory_space<hbm>>
    %dma_wait3A_94 = tpu.memref_squeeze %dma_wait3A_93 : memref<512x1x64xf32, #tpu.memory_space<hbm>> -> memref<512x64xf32, #tpu.memory_space<hbm>>
    %dma_wait3A_95 = arith.constant 0 : i32
    %dma_wait3A_96 = tpu.memref_slice %arg4[%mul3A_2, %dma_wait3A_91, %dma_wait3A_95] : memref<16384x20x64xf32, #tpu.memory_space<hbm>> -> memref<512x1x64xf32, #tpu.memory_space<hbm>>
    %dma_wait3A_97 = tpu.memref_squeeze %dma_wait3A_96 : memref<512x1x64xf32, #tpu.memory_space<hbm>> -> memref<512x64xf32, #tpu.memory_space<hbm>>
    tpu.wait_dma2 semaphore(%arg9 : memref<!tpu.dma_semaphore, #tpu.memory_space<semaphore_mem>>) src(%arg6 : memref<512x64xf32, #tpu.memory_space<vmem>>) dst(%dma_wait3A_97 : memref<512x64xf32, #tpu.memory_space<hbm>>)
    %dma_wait3A_98 = arith.constant 0 : i32
    %dma_wait3A_99 = arith.constant 0 : i32
    %dma_wait3A_100 = tpu.memref_slice %arg5[%dma_wait3A_98, %dma_wait3A_99] : memref<20x512xi32, #tpu.memory_space<vmem>> -> memref<1x512xi32, #tpu.memory_space<vmem>>
    %dma_wait3A_101 = tpu.memref_squeeze %dma_wait3A_100 : memref<1x512xi32, #tpu.memory_space<vmem>> -> memref<512xi32, #tpu.memory_space<vmem>>
    %dma_wait3A_102 = arith.constant 0 : i32
    %dma_wait3A_103 = arith.constant 0 : i32
    %dma_wait3A_104 = tpu.memref_slice %arg3[%dma_wait3A_102, %dma_wait3A_103] : memref<1000x64xf32, #tpu.memory_space<hbm>> -> memref<1000x64xf32, #tpu.memory_space<hbm>>
    tpu.wait_indirect_dma semaphore(%arg8 : memref<!tpu.dma_semaphore, #tpu.memory_space<semaphore_mem>>) src(%dma_wait3A_104 : memref<1000x64xf32, #tpu.memory_space<hbm>>) dst(%arg7 : memref<512x64xf32, #tpu.memory_space<vmem>>)
    %dma_start3A_105 = arith.constant 19 : i32
    %dma_start3A_106 = arith.constant 0 : i32
    %dma_start3A_107 = tpu.memref_slice %arg4[%mul3A_2, %dma_start3A_105, %dma_start3A_106] : memref<16384x20x64xf32, #tpu.memory_space<hbm>> -> memref<512x1x64xf32, #tpu.memory_space<hbm>>
    %dma_start3A_108 = tpu.memref_squeeze %dma_start3A_107 : memref<512x1x64xf32, #tpu.memory_space<hbm>> -> memref<512x64xf32, #tpu.memory_space<hbm>>
    %dma_start3A_109 = arith.constant 0 : i32
    %dma_start3A_110 = tpu.memref_slice %arg4[%mul3A_2, %dma_start3A_105, %dma_start3A_109] : memref<16384x20x64xf32, #tpu.memory_space<hbm>> -> memref<512x1x64xf32, #tpu.memory_space<hbm>>
    %dma_start3A_111 = tpu.memref_squeeze %dma_start3A_110 : memref<512x1x64xf32, #tpu.memory_space<hbm>> -> memref<512x64xf32, #tpu.memory_space<hbm>>
    tpu.enqueue_dma source(%arg7 : memref<512x64xf32, #tpu.memory_space<vmem>>) target(%dma_start3A_111 : memref<512x64xf32, #tpu.memory_space<hbm>>) target_semaphore(%arg9 : memref<!tpu.dma_semaphore, #tpu.memory_space<semaphore_mem>>)
    %dma_wait3A_112 = arith.constant 0 : i32
    %dma_wait3A_113 = arith.constant 0 : i32
    %dma_wait3A_114 = tpu.memref_slice %arg4[%mul3A_2, %dma_wait3A_112, %dma_wait3A_113] : memref<16384x20x64xf32, #tpu.memory_space<hbm>> -> memref<512x1x64xf32, #tpu.memory_space<hbm>>
    %dma_wait3A_115 = tpu.memref_squeeze %dma_wait3A_114 : memref<512x1x64xf32, #tpu.memory_space<hbm>> -> memref<512x64xf32, #tpu.memory_space<hbm>>
    %dma_wait3A_116 = arith.constant 0 : i32
    %dma_wait3A_117 = tpu.memref_slice %arg4[%mul3A_2, %dma_wait3A_112, %dma_wait3A_116] : memref<16384x20x64xf32, #tpu.memory_space<hbm>> -> memref<512x1x64xf32, #tpu.memory_space<hbm>>
    %dma_wait3A_118 = tpu.memref_squeeze %dma_wait3A_117 : memref<512x1x64xf32, #tpu.memory_space<hbm>> -> memref<512x64xf32, #tpu.memory_space<hbm>>
    tpu.wait_dma2 semaphore(%arg9 : memref<!tpu.dma_semaphore, #tpu.memory_space<semaphore_mem>>) src(%arg7 : memref<512x64xf32, #tpu.memory_space<vmem>>) dst(%dma_wait3A_118 : memref<512x64xf32, #tpu.memory_space<hbm>>)
    return
  }
}

</mosaic_0001>

<sc_bundles>
// kernel: kernel.11.cloned.1.call-start
scs
__scs_entry_jumppad:
0x0: {  	(pc) =	sbr.rel $0x88, $3  }
0x1: {  	(tag) =	ssettag $0x0;
	lr =	simm.s32 $0x1  }
0x2: {  	[smem:$0x3F9B] =	sst lr;
	_ =	strace $0xD0000000  }
0x3: {  	_ = 	snop  }
0x4: {  	_ = 	snop  }
0x5: {  	_ = 	snop  }
0x6: {  	_ = 	snop  }
0x7: {  	_ = 	snop  }
__scs_overlays_trampoline_lowered:
0x8: {  	[smem:$0x3FAA] =	sst s0  }
0x9: {  	[smem:$0x3FAB] =	sst s1  }
0xa: {  	[smem:$0x3FAC] =	sst s2  }
0xb: {  	[smem:$0x3FAD] =	sst s3  }
0xc: {  	[smem:$0x3FAE] =	sst s4  }
0xd: {  	[smem:$0x3FAF] =	sst s5  }
0xe: {  	[smem:$0x3FB0] =	sst s6  }
0xf: {  	[smem:$0x3FB1] =	sst s7  }
0x10: {  	[smem:$0x3FB2] =	sst s8  }
0x11: {  	[smem:$0x3FB3] =	sst s9;
	s0 =	simm.s32 @!p0 $0x0  }
0x12: {  	s1 =	sld [smem:$0x3F99];
	s0 =	simm.s32 @p0 $0x1  }
0x13: {  	[smem:$0x3FB4] =	sst s0;
	s0 =	simm.s32 @!p1 $0x0  }
0x14: {  	s2 =	sld [smem:$0x3F98];
	s0 =	simm.s32 @p1 $0x1  }
0x15: {  	[smem:$0x3FB5] =	sst s0;
	s0 =	simm.s32 @!p2 $0x0  }
0x16: {  	s3 =	sld [smem:$0x3FDB];
	s0 =	simm.s32 @p2 $0x1  }
0x17: {  	s4 =	simm.s32 $0x1BF5;
	[smem:$0x3FB7] =	sst s0  }
0x18: {  	s0 =	sld [smem:$0x3F9A];
	_ =	swait.ge [sflag:s4], $0x0  }
0x19: {  	s7 =	sld [smem:$0x3F9B]  }
0x1a: {  	s8 =	sadd.s32 $0xFFFFE003, lr  }
0x1b: {  	s9 =	sadd.s32 $0xFFFFFEF7, lr;
	s5 =	simm.s32 $0xFFFFFFFF;
	p2 =	slt.u32 s8, $0xFFFFF086  }
0x1c: {  	p1 =	slt.u32 s9, $0xF7A;
	s5 =	simm.s32 @!p2 $0x0  }
0x1d: {  	s5 =	simm.s32 @p1 $0x1;
	p0 =	seq.s32 s7, s2  }
0x1e: {  	s7 =	smul.u32 @!p0 $0xF7A, s2;
	p2 =	seq.s32 @!p0 s5, $0x0  }
0x1f: {  	s9 =	smul.u32 $0xF7A, s1;
	s8 =	simm.s32 @!p0 $0x1BF5;
	p2 =	por !p2, p0  }
0x20: {  	[sflag:s8] =	ssyncset.s32 @!p0 $0xFFFFF086;
	s6 =	sadd.s32 @!p0 s3, s7;
	s7 =	simm.s32 @!p0 $0x108  }
0x21: {  	s3 =	sadd.s32 s3, s9;
	s6 =	sadd.s32 @!p0 $0x88, s6;
	s7 =	simm.s32 @p2 $0x1082  }
0x22: {  	[simem:s7], [sflag:s8] =	dma.local @!p0 [hbm:s6], $0xF7A  }
0x23: {  	s9 =	sor.u32 $0xD0000000, s2;
	s6 =	simm.s32 $0x108;
	_ =	swait.ge @!p0 [sflag:s8], $0x0  }
0x24: {  	s3 =	sadd.s32 $0x88, s3;
	s6 =	simm.s32 @!p1 $0x1082;
	[sflag:s4] =	ssyncset.s32 $0xFFFFF086  }
0x25: {  	[simem:s6], [sflag:s4] =	dma.local [hbm:s3], $0xF7A  }
0x26: {  	[smem:$0x3F9B] =	sst s1;
	(tag) =	ssettag s2;
	_ =	strace s9  }
0x27: {  	s1 =	sld [smem:$0x3FAB]  }
0x28: {  	s2 =	sld [smem:$0x3FAC]  }
0x29: {  	s4 =	sld [smem:$0x3FAE]  }
0x2a: {  	p0 =	seq.s32 s5, $0x0;
	s5 =	sld [smem:$0x3FAF]  }
0x2b: {  	s6 =	sld [smem:$0x3FB0]  }
0x2c: {  	s7 =	sld [smem:$0x3FB1]  }
0x2d: {  	s3 =	simm.s32 $0x108;
	s8 =	sld [smem:$0x3FB2]  }
0x2e: {  	s3 =	simm.s32 @!p0 $0x1082;
	s9 =	sld [smem:$0x3FB3]  }
0x2f: {  	lr =	sadd.s32 s0, s3;
	s0 =	sld [smem:$0x3FAA]  }
0x30: {  	s3 =	sld [smem:$0x3FAD]  }
0x31: {  	[smem:$0x3FB6] =	sst s10  }
0x32: {  	s10 =	sld [smem:$0x3FB4];
	_ =	sdelay $0x3  }
0x33: {  	p0 =	seq.s32 s10, $0x1;
	s10 =	sld [smem:$0x3FB6];
	_ =	sdelay $0x3  }
0x34: {  	[smem:$0x3FB6] =	sst s10  }
0x35: {  	s10 =	sld [smem:$0x3FB5];
	_ =	sdelay $0x3  }
0x36: {  	p1 =	seq.s32 s10, $0x1;
	s10 =	sld [smem:$0x3FB6];
	_ =	sdelay $0x3  }
0x37: {  	[smem:$0x3FB6] =	sst s10  }
0x38: {  	s10 =	sld [smem:$0x3FB7]  }
0x39: {  	_ = 	snop;
	(pc) =	sbr.ind lr, $3  }
0x3a: {  	_ = 	snop  }
0x3b: {  	_ = 	snop  }
0x3c: {  	p2 =	seq.s32 s10, $0x1;
	s10 =	sld [smem:$0x3FB6]  }
0x3d: {  	_ =	shalt  }
0x3e: {  	_ =	shalt  }
0x3f: {  	_ =	shalt  }
0x40: {  	_ =	shalt  }
0x41: {  	_ =	shalt  }
0x42: {  	_ =	shalt  }
0x43: {  	_ =	shalt  }
0x44: {  	_ =	shalt  }
0x45: {  	_ =	shalt  }
0x46: {  	_ =	shalt  }
0x47: {  	_ =	shalt  }
0x48: {  	_ =	shalt  }
0x49: {  	_ =	shalt  }
0x4a: {  	_ =	shalt  }
0x4b: {  	_ =	shalt  }
0x4c: {  	_ =	shalt  }
0x4d: {  	_ =	shalt  }
0x4e: {  	_ =	shalt  }
0x4f: {  	_ =	shalt  }
0x50: {  	_ =	shalt  }
0x51: {  	_ =	shalt  }
0x52: {  	_ =	shalt  }
0x53: {  	_ =	shalt  }
0x54: {  	_ =	shalt  }
0x55: {  	_ =	shalt  }
0x56: {  	_ =	shalt  }
0x57: {  	_ =	shalt  }
0x58: {  	_ =	shalt  }
0x59: {  	_ =	shalt  }
0x5a: {  	_ =	shalt  }
0x5b: {  	_ =	shalt  }
0x5c: {  	_ =	shalt  }
0x5d: {  	_ =	shalt  }
0x5e: {  	_ =	shalt  }
0x5f: {  	_ =	shalt  }
0x60: {  	_ =	shalt  }
0x61: {  	_ =	shalt  }
0x62: {  	_ =	shalt  }
0x63: {  	_ =	shalt  }
0x64: {  	_ =	shalt  }
0x65: {  	_ =	shalt  }
0x66: {  	_ =	shalt  }
0x67: {  	_ =	shalt  }
0x68: {  	_ =	shalt  }
0x69: {  	_ =	shalt  }
0x6a: {  	_ =	shalt  }
0x6b: {  	_ =	shalt  }
0x6c: {  	_ =	shalt  }
0x6d: {  	_ =	shalt  }
0x6e: {  	_ =	shalt  }
0x6f: {  	_ =	shalt  }
0x70: {  	_ =	shalt  }
0x71: {  	_ =	shalt  }
0x72: {  	_ =	shalt  }
0x73: {  	_ =	shalt  }
0x74: {  	_ =	shalt  }
0x75: {  	_ =	shalt  }
0x76: {  	_ =	shalt  }
0x77: {  	_ =	shalt  }
0x78: {  	_ =	shalt  }
0x79: {  	_ =	shalt  }
0x7a: {  	_ =	shalt  }
0x7b: {  	_ =	shalt  }
0x7c: {  	_ =	shalt  }
0x7d: {  	_ =	shalt  }
0x7e: {  	_ =	shalt  }
0x7f: {  	_ =	shalt  }
0x80: {  	_ =	shalt  }
0x81: {  	_ =	shalt  }
0x82: {  	_ =	shalt  }
0x83: {  	_ =	shalt  }
0x84: {  	_ =	shalt  }
0x85: {  	_ =	shalt  }
0x86: {  	_ =	shalt  }
0x87: {  	_ =	shalt  }
.Lfunc_end0:
.L_simem_size_0:
called_computation.5_lowered:
.L_overlay_start_0:
0x88: {  	s2 =	sld [smem:$0x3FD9]  }
0x89: {  	s3 =	sld [smem:$0x3FFE];
	_ =	sdelay $0x1  }
0x8a: {  	s1 =	srdreg.scid  }
0x8b: {  	s0 =	sand.u32 $0x1, s1  }
0x8c: {  	s14 =	sshll.u32 s0, $0xA;
	s2 =	sadd.s32 s3, s2  }
0x8d: {  	s2 =	sadd.s32 s2, s14  }
0x8e: {  	[smem:$0x3FC2] =	sst s2  }
0x8f: {  	_ = 	snop  }
0x90: {  	s2 =	sld [smem:$0x3FD0];
	_ =	sdelay $0x2  }
0x91: {  	s15 =	simm.s32 $0xC;
	s4 =	simm.s32 $0x10  }
0x92: {  	[smem:s4], [sflag:s15] =	dma.local [hbm:s2], $0x1  }
0x93: {  	_ =	swait.eq [sflag:s15], $0x1  }
0x94: {  	[sflag:s15] =	ssyncset.done $0x0  }
0x95: {  	[sflag:s15] =	ssyncadd.s32 $0xFFFFFFFF  }
0x96: {  	s16 =	sld [smem:$0x10];
	(tm) =	ssettm $0x1  }
0x97: {  	s17 =	sld [smem:$0x3FFB];
	_ =	sdelay $0x3  }
0x98: {  	_ =	strace s17  }
0x99: {  	s3 =	sld [smem:$0x3FFC];
	_ =	sdelay $0x3  }
0x9a: {  	_ =	strace s3  }
0x9b: {  	s3 =	sld [smem:$0x3FFD];
	_ =	sdelay $0x3  }
0x9c: {  	_ =	strace s3  }
0x9d: {  	_ =	strace $0x8FFFFFFF  }
0x9e: {  	s18 =	sld [smem:$0x3FDB];
	_ =	sdelay $0x1  }
0x9f: {  	s19 =	simm.s32 $_scs_section_size  }
0xa0: {  	s5 =	simm.s32 $_size__tile_overlayer_lowered;
	s6 =	simm.s32 $_tile_overlayer_lowered  }
0xa1: {  	s22 =	simm.s32 $0x1BFF;
	s21 =	sshll.u32 s6, $0x1;
	s3 =	sadd.s32 s19, s18  }
0xa2: {  	s7 =	simm.s32 $0x0;
	s20 =	sshll.u32 s5, $0x1;
	s5 =	sadd.s32 s21, s3  }
0xa3: {  	[timem:s7], [sflag:s22] =	dma.local [hbm:s5], s20  }
0xa4: {  	_ =	swait.ge [sflag:s22], s20  }
0xa5: {  	s4 =	ssub.s32 $0x0, s20;
	[sflag:s22] =	ssyncset.done $0x0  }
0xa6: {  	[sflag:s22] =	ssyncadd.s32 s4;
	_ =	sdelay $0x1  }
0xa7: {  	s23 =	simm.s32 $0x1B8B  }
0xa8: {  	_ =	swait.ge [sflag:s23], $0x1  }
0xa9: {  	[sflag:s23] =	ssyncset.done $0x0  }
0xaa: {  	s25 =	simm.s32 $0x1B8E;
	s24 =	sld [smem:$0x3FFE];
	[sflag:s23] =	ssyncadd.s32 $0xFFFFFFFF  }
0xab: {  	s26 =	simm.s32 $execute0_lowered;
	[smem:$0x3FD2] =	sst s25  }
0xac: {  	s5 =	sshll.u32 s26, $0x1;
	_ =	strace $0x80000046;
	[dreg:$0x1] =	wrdreg $0xFFFFFFFF  }
0xad: {  	s28 =	simm.s32 $_size_execute0_lowered;
	s3 =	sadd.s32 s3, s5;
	[dreg:$0x0] =	wrdreg $0x0  }
0xae: {  	s5 =	sshll.u32 s28, $0x1;
	[dreg:$0x2] =	wrdreg s3  }
0xaf: {  	[dreg:$0x3] =	wrdreg s5  }
0xb0: {  	[dreg:$0x4] =	wrdreg $0xC0  }
0xb1: {  	_ =	task [dreg:s7], $0x5FFFF  }
0xb2: {  	[dreg:$0x1] =	wrdreg $0xFFFFFFFF  }
0xb3: {  	[dreg:$0x0] =	wrdreg $0x60  }
0xb4: {  	[dreg:$0x2] =	wrdreg s24  }
0xb5: {  	[dreg:$0x3] =	wrdreg s16  }
0xb6: {  	[dreg:$0x4] =	wrdreg $0x9  }
0xb7: {  	_ =	task.clear_ibuf [dreg:s7], $0x5FFFF;
	_ =	strace $0x90000046  }
0xb8: {  	s29 =	simm.s32 $0x9;
	_ =	strace $0x80000048  }
0xb9: {  	_ =	swait.ge [sflag:s29], $0x1  }
0xba: {  	[sflag:s29] =	ssyncadd.s32 $0xFFFFFFFF  }
0xbb: {  	_ =	strace $0x90000048  }
0xbc: {  	_ =	sfence  }
0xbd: {  	s30 =	sld [smem:$0x0];
	_ =	sdelay $0x2  }
0xbe: {  	s31 =	sshll.u32 s1, $0xD;
	s1 =	sshrl.u32 s1, $0x2  }
0xbf: {  	s3 =	sand.u32 $0x4000, s31;
	s1 =	sadd.s32 s1, s30  }
0xc0: {  	s0 =	sor.u32 s3, s0;
	s1 =	sshll.u32 s1, $0x11  }
0xc1: {  	s0 =	sor.u32 s1, s0  }
0xc2: {  	s0 =	sadd.s32 $0x8F2B, s0  }
0xc3: {  	[sflag:s0] =	ssyncadd.remote.s32 $0x1  }
0xc4: {  	_ =	sfence.sel $0xFFFF  }
0xc5: {  	[dreg:$0x0] =	wrdreg $0xFFFFFFFF;
	(pc) =	sbr.abs _section_cstart, $3  }
0xc6: {  	[dreg:$0x1] =	wrdreg $0xFFFFFFFF  }
0xc7: {  	_ =	task.clear_ibuf [dreg:s7], $0x2FFFF;
	_ =	strace $0x9FFFFFFF  }
0xc8: {  	(tm) =	ssettm $0x7FFFFFFF  }
0xc9: {  	_ =	shalt  }
tec
execute0_lowered:
.L_overlay_start_1:
0x0: {  	(tag) =	ssettag $0x1  }
0x1: {  	s3 =	rddreg [dreg:$0x0]  }
0x2: {  	s11 =	rddreg [dreg:$0x1];
	s2 =	srdreg.scid  }
0x3: {  	s0 =	rddreg [dreg:$0x2];
	s1 =	stileid.u32  }
0x4: {  	s13 =	simm.s32 $0x4000;
	s14 =	simm.s32 $0x3;
	s15 =	simm.s32 $0x2800  }
0x5: {  	s16 =	simm.s32 $0xA800;
	s17 =	simm.s32 $0x1;
	s18 =	simm.s32 $0x40  }
0x6: {  	s19 =	simm.s32 $0x500;
	s20 =	simm.s32 $0x2;
	s21 =	simm.s32 $0x400  }
0x7: {  	s22 =	simm.s32 $0x2600;
	s23 =	simm.s32 $0x0;
	s4 =	sand.u32 $0x1, s2  }
0x8: {  	s2 =	simm.s32 $0x0;
	s5 =	sshll.u32 s1, $0xA;
	s8 =	smul.u32 $0x140000, s1  }
0x9: {  	s6 =	sshll.u32 s4, $0x9;
	[smem:$0x7FF] =	sst s2;
	s7 =	ssub.s32 $0x2, s4  }
0xa: {  	s10 =	smul.u32 $0xA0000, s4;
	s5 =	sor.u32 s6, s5;
	_ =	strace $0x80000047  }
0xb: {  	s9 =	sshrl.u32 s7, $0x1;
	s6 =	sshrl.u32 s5, $0x3;
	s5 =	smul.u32 $0x500, s5  }
0xc: {  	s9 =	ssub.s32 s7, s9;
	s8 =	sadd.s32 s10, s8;
	s6 =	sadd.s32 s6, s3  }
0xd: {  	s3 =	sadd.s32 $0xF44600, s3;
	s10 =	sor.u32 $0x80, s8;
	s12 =	sor.u32 $0xC0, s8  }
0xe: {  	s9 =	smax.u32 s9, $0x1;
	s5 =	sshrl.u32 s5, $0x3;
	s10 =	sshrl.u32 s10, $0x3  }
0xf: {  	s12 =	sshrl.u32 s12, $0x3;
	s4 =	sadd.s32 s11, s5;
	s5 =	sadd.s32 $0x2200, s6  }
0x10: {  	s10 =	sadd.s32 s10, s11;
	s11 =	sadd.s32 s12, s11;
	s12 =	simm.s32 $0x200  }
0x11: {  	s6 =	sadd.s32 $0x8, s4;
	s7 =	sadd.s32 $0x90, s4;
	s8 =	sadd.s32 $0x98, s4  }
.LBB2_1:
0x12: {  	[tilespmem:s2], [sflag:$0x3] =	stream.strided.gather [hbm4b:s5+s12], $0x2800, s13, s12, $0x38;
	[tilespmem:$0x12800] =	vst v63  }
0x13: {  	_ =	swait.ge [sflag:s14], $0x2800  }
0x14: {  	[sflag:s14] =	ssyncset.done $0x0  }
0x15: {  	[sflag:s14] =	ssyncadd.s32 $0xFFFFD800  }
0x16: {  	[tilespmem:s15], [sflag:$0x1] =	stream.indirect.gather [hbm4b:s3+s12], $0x40, s2, s12, $0xb8;
	[tilespmem:$0x12800] =	vst v63  }
0x17: {  	_ = 	snop  }
0x18: {  	[tilespmem:s16], [sflag:$0x1] =	stream.indirect.gather [hbm4b:s3+s12], $0x40, s12, s12, $0xb8;
	[tilespmem:$0x12800] =	vst v63  }
0x19: {  	_ =	swait.ge [sflag:s17], $0x8000  }
0x1a: {  	[sflag:s17] =	ssyncset.done $0x0  }
0x1b: {  	[sflag:s17] =	ssyncadd.s32 $0xFFFF8000  }
0x1c: {  	[hbm4b:s4+s18] =	stream.strided.scatter [tilespmem:s15], [sflag:$0x2], $0x8000, s19, s18, $0x38;
	[tilespmem:$0x12800] =	vst v63  }
0x1d: {  	_ =	swait.ge [sflag:s20], $0x8000  }
0x1e: {  	[sflag:s20] =	ssyncset.done $0x0  }
0x1f: {  	[sflag:s20] =	ssyncadd.s32 $0xFFFF8000  }
0x20: {  	[tilespmem:s15], [sflag:$0x1] =	stream.indirect.gather [hbm4b:s3+s12], $0x40, s21, s12, $0xb8;
	[tilespmem:$0x12800] =	vst v63  }
0x21: {  	_ =	swait.ge [sflag:s17], $0x8000  }
0x22: {  	[sflag:s17] =	ssyncset.done $0x0  }
0x23: {  	[sflag:s17] =	ssyncadd.s32 $0xFFFF8000  }
0x24: {  	[hbm4b:s6+s18] =	stream.strided.scatter [tilespmem:s16], [sflag:$0x2], $0x8000, s19, s18, $0x38;
	[tilespmem:$0x12800] =	vst v63  }
0x25: {  	_ =	swait.ge [sflag:s20], $0x8000  }
0x26: {  	[sflag:s20] =	ssyncset.done $0x0  }
0x27: {  	s24 =	simm.s32 $0x600;
	[sflag:s20] =	ssyncadd.s32 $0xFFFF8000  }
0x28: {  	[tilespmem:s16], [sflag:$0x1] =	stream.indirect.gather [hbm4b:s3+s12], $0x40, s24, s12, $0xb8;
	[tilespmem:$0x12800] =	vst v63  }
0x29: {  	_ =	swait.ge [sflag:s17], $0x8000  }
0x2a: {  	[sflag:s17] =	ssyncset.done $0x0  }
0x2b: {  	s30 =	sadd.s32 $0x0, s10;
	[sflag:s17] =	ssyncadd.s32 $0xFFFF8000  }
0x2c: {  	[hbm4b:s30+s18] =	stream.strided.scatter [tilespmem:s15], [sflag:$0x2], $0x8000, s19, s18, $0x38;
	[tilespmem:$0x12800] =	vst v63  }
0x2d: {  	_ =	swait.ge [sflag:s20], $0x8000  }
0x2e: {  	[sflag:s20] =	ssyncset.done $0x0  }
0x2f: {  	s31 =	simm.s32 $0x800;
	[sflag:s20] =	ssyncadd.s32 $0xFFFF8000  }
0x30: {  	[tilespmem:s15], [sflag:$0x1] =	stream.indirect.gather [hbm4b:s3+s12], $0x40, s31, s12, $0xb8;
	[tilespmem:$0x12800] =	vst v63  }
0x31: {  	_ =	swait.ge [sflag:s17], $0x8000  }
0x32: {  	s26 =	sadd.s32 $0x0, s11;
	[sflag:s17] =	ssyncset.done $0x0  }
0x33: {  	s25 =	simm.s32 $0xC00;
	s24 =	simm.s32 $0x10;
	[sflag:s17] =	ssyncadd.s32 $0xFFFF8000  }
.LBB2_2:
0x34: {  	[hbm4b:s26+s18] =	stream.strided.scatter [tilespmem:s16], [sflag:$0x2], $0x8000, s19, s18, $0x38;
	[tilespmem:$0x12800] =	vst v63  }
0x35: {  	s26 =	smov.u32 s24  }
0x36: {  	p0 =	sne.s32 s24, $0x70;
	s24 =	sadd.s32 $0x10, s24;
	_ =	swait.ge [sflag:s20], $0x8000  }
0x37: {  	[sflag:s20] =	ssyncset.done $0x0  }
0x38: {  	s28 =	sadd.s32 $0xFFFFFE00, s25;
	[sflag:s20] =	ssyncadd.s32 $0xFFFF8000  }
0x39: {  	[tilespmem:s16], [sflag:$0x1] =	stream.indirect.gather [hbm4b:s3+s12], $0x40, s28, s12, $0xb8;
	[tilespmem:$0x12800] =	vst v63  }
0x3a: {  	_ =	swait.ge [sflag:s17], $0x8000  }
0x3b: {  	[sflag:s17] =	ssyncset.done $0x0  }
0x3c: {  	s28 =	sadd.s32 s26, s10;
	[sflag:s17] =	ssyncadd.s32 $0xFFFF8000  }
0x3d: {  	[hbm4b:s28+s18] =	stream.strided.scatter [tilespmem:s15], [sflag:$0x2], $0x8000, s19, s18, $0x38;
	[tilespmem:$0x12800] =	vst v63  }
0x3e: {  	_ =	swait.ge [sflag:s20], $0x8000  }
0x3f: {  	[sflag:s20] =	ssyncset.done $0x0  }
.Ltmp0:
0x40: {  	[sflag:s20] =	ssyncadd.s32 $0xFFFF8000;
	(pc) =	sbr.rel @p0 .LBB2_2-.Ltmp0, $4  }
0x41: {  	[tilespmem:s15], [sflag:$0x1] =	stream.indirect.gather [hbm4b:s3+s12], $0x40, s25, s12, $0xb8;
	[tilespmem:$0x12800] =	vst v63  }
0x42: {  	_ =	swait.ge [sflag:s17], $0x8000  }
0x43: {  	[sflag:s17] =	ssyncset.done $0x0  }
0x44: {  	s26 =	sadd.s32 s26, s11;
	s25 =	sadd.s32 $0x400, s25;
	[sflag:s17] =	ssyncadd.s32 $0xFFFF8000  }
0x45: {  	[hbm4b:s26+s18] =	stream.strided.scatter [tilespmem:s16], [sflag:$0x2], $0x8000, s19, s18, $0x38;
	[tilespmem:$0x12800] =	vst v63  }
0x46: {  	_ =	swait.ge [sflag:s20], $0x8000  }
0x47: {  	[sflag:s20] =	ssyncset.done $0x0  }
0x48: {  	[sflag:s20] =	ssyncadd.s32 $0xFFFF8000  }
0x49: {  	[tilespmem:s16], [sflag:$0x1] =	stream.indirect.gather [hbm4b:s3+s12], $0x40, s22, s12, $0xb8;
	[tilespmem:$0x12800] =	vst v63  }
0x4a: {  	_ =	swait.ge [sflag:s17], $0x8000  }
0x4b: {  	[sflag:s17] =	ssyncset.done $0x0  }
0x4c: {  	[sflag:s17] =	ssyncadd.s32 $0xFFFF8000  }
0x4d: {  	[hbm4b:s7+s18] =	stream.strided.scatter [tilespmem:s15], [sflag:$0x2], $0x8000, s19, s18, $0x38;
	[tilespmem:$0x12800] =	vst v63  }
0x4e: {  	_ =	swait.ge [sflag:s20], $0x8000  }
0x4f: {  	[sflag:s20] =	ssyncset.done $0x0  }
0x50: {  	[sflag:s20] =	ssyncadd.s32 $0xFFFF8000  }
0x51: {  	s23 =	sadd.s32 $0x1, s23;
	_ =	swait.ge [sflag:s17], $0x8000  }
0x52: {  	p0 =	sne.s32 s23, s9;
	[sflag:s17] =	ssyncset.done $0x0  }
.Ltmp1:
0x53: {  	[sflag:s17] =	ssyncadd.s32 $0xFFFF8000;
	(pc) =	sbr.rel @p0 .LBB2_1-.Ltmp1, $4  }
0x54: {  	[hbm4b:s8+s18] =	stream.strided.scatter [tilespmem:s16], [sflag:$0x2], $0x8000, s19, s18, $0x38;
	[tilespmem:$0x12800] =	vst v63  }
0x55: {  	_ =	swait.ge [sflag:s20], $0x8000  }
0x56: {  	[sflag:s20] =	ssyncset.done $0x0  }
0x57: {  	[sflag:s20] =	ssyncadd.s32 $0xFFFF8000  }
0x58: {  	_ =	sfence.sel $0x180000  }
0x59: {  	[bflag:$0x0] =	sbarrier.arrive $0xFFFF  }
0x5a: {  	p0 =	sne.s32 s1, $0x0;
	_ =	strace $0x90000047  }
0x5b: {  	s0 =	sadd.s32 @!p0 $0x100000, s0;
	[bflag:$0x2] =	sbarrier.arrive $0xFFFF  }
0x5c: {  	[sflag:s0] =	ssyncadd.tile.s32 @!p0 $0x1;
	_ =	shalt  }
.Lfunc_end2:
_tile_overlayer_lowered:
.L_overlay_start_2:
0x5d: {  	(tag) =	ssettag $0x2  }
0x5e: {  	s0 =	rddreg [dreg:$0x0];
	s2 =	stileid.u32  }
0x5f: {  	s1 =	rddreg [dreg:$0x1];
	p0 =	sne.s32 s2, $0x0  }
0x60: {  	s3 =	rddreg [dreg:$0x2];
	[bflag:$0x3] =	sbarrier.arrive $0xFFFF;
	s2 =	simm.s32 @!p0 $0x1C03  }
0x61: {  	[timem:s3], [sflag:s2] =	dma.local @!p0 [hbm:s0], s1  }
0x62: {  	s0 =	simm.s32 @!p0 $0x3  }
0x63: {  	_ =	swait.ge @!p0 [sflag:s0], s1  }
0x64: {  	s1 =	ssub.s32 @!p0 $0x0, s1;
	[sflag:s0] =	ssyncset.done @!p0 $0x0  }
0x65: {  	[sflag:s0] =	ssyncadd.s32 @!p0 s1  }
0x66: {  	[bflag:$0x3] =	sbarrier.arrive $0xFFFF  }
0x67: {  	_ =	shalt  }

// kernel: kernel.5.cloned.1.call-start
scs
__scs_entry_jumppad:
0x0: {  	(pc) =	sbr.rel $0x88, $3  }
0x1: {  	(tag) =	ssettag $0x0;
	lr =	simm.s32 $0x1  }
0x2: {  	[smem:$0x3F9B] =	sst lr;
	_ =	strace $0xD0000000  }
0x3: {  	_ = 	snop  }
0x4: {  	_ = 	snop  }
0x5: {  	_ = 	snop  }
0x6: {  	_ = 	snop  }
0x7: {  	_ = 	snop  }
__scs_overlays_trampoline_lowered:
0x8: {  	[smem:$0x3FAA] =	sst s0  }
0x9: {  	[smem:$0x3FAB] =	sst s1  }
0xa: {  	[smem:$0x3FAC] =	sst s2  }
0xb: {  	[smem:$0x3FAD] =	sst s3  }
0xc: {  	[smem:$0x3FAE] =	sst s4  }
0xd: {  	[smem:$0x3FAF] =	sst s5  }
0xe: {  	[smem:$0x3FB0] =	sst s6  }
0xf: {  	[smem:$0x3FB1] =	sst s7  }
0x10: {  	[smem:$0x3FB2] =	sst s8  }
0x11: {  	[smem:$0x3FB3] =	sst s9;
	s0 =	simm.s32 @!p0 $0x0  }
0x12: {  	s1 =	sld [smem:$0x3F99];
	s0 =	simm.s32 @p0 $0x1  }
0x13: {  	[smem:$0x3FB4] =	sst s0;
	s0 =	simm.s32 @!p1 $0x0  }
0x14: {  	s2 =	sld [smem:$0x3F98];
	s0 =	simm.s32 @p1 $0x1  }
0x15: {  	[smem:$0x3FB5] =	sst s0;
	s0 =	simm.s32 @!p2 $0x0  }
0x16: {  	s3 =	sld [smem:$0x3FDB];
	s0 =	simm.s32 @p2 $0x1  }
0x17: {  	s4 =	simm.s32 $0x1BF5;
	[smem:$0x3FB7] =	sst s0  }
0x18: {  	s0 =	sld [smem:$0x3F9A];
	_ =	swait.ge [sflag:s4], $0x0  }
0x19: {  	s7 =	sld [smem:$0x3F9B]  }
0x1a: {  	s8 =	sadd.s32 $0xFFFFE003, lr  }
0x1b: {  	s9 =	sadd.s32 $0xFFFFFEF7, lr;
	s5 =	simm.s32 $0xFFFFFFFF;
	p2 =	slt.u32 s8, $0xFFFFF086  }
0x1c: {  	p1 =	slt.u32 s9, $0xF7A;
	s5 =	simm.s32 @!p2 $0x0  }
0x1d: {  	s5 =	simm.s32 @p1 $0x1;
	p0 =	seq.s32 s7, s2  }
0x1e: {  	s7 =	smul.u32 @!p0 $0xF7A, s2;
	p2 =	seq.s32 @!p0 s5, $0x0  }
0x1f: {  	s9 =	smul.u32 $0xF7A, s1;
	s8 =	simm.s32 @!p0 $0x1BF5;
	p2 =	por !p2, p0  }
0x20: {  	[sflag:s8] =	ssyncset.s32 @!p0 $0xFFFFF086;
	s6 =	sadd.s32 @!p0 s3, s7;
	s7 =	simm.s32 @!p0 $0x108  }
0x21: {  	s3 =	sadd.s32 s3, s9;
	s6 =	sadd.s32 @!p0 $0x88, s6;
	s7 =	simm.s32 @p2 $0x1082  }
0x22: {  	[simem:s7], [sflag:s8] =	dma.local @!p0 [hbm:s6], $0xF7A  }
0x23: {  	s9 =	sor.u32 $0xD0000000, s2;
	s6 =	simm.s32 $0x108;
	_ =	swait.ge @!p0 [sflag:s8], $0x0  }
0x24: {  	s3 =	sadd.s32 $0x88, s3;
	s6 =	simm.s32 @!p1 $0x1082;
	[sflag:s4] =	ssyncset.s32 $0xFFFFF086  }
0x25: {  	[simem:s6], [sflag:s4] =	dma.local [hbm:s3], $0xF7A  }
0x26: {  	[smem:$0x3F9B] =	sst s1;
	(tag) =	ssettag s2;
	_ =	strace s9  }
0x27: {  	s1 =	sld [smem:$0x3FAB]  }
0x28: {  	s2 =	sld [smem:$0x3FAC]  }
0x29: {  	s4 =	sld [smem:$0x3FAE]  }
0x2a: {  	p0 =	seq.s32 s5, $0x0;
	s5 =	sld [smem:$0x3FAF]  }
0x2b: {  	s6 =	sld [smem:$0x3FB0]  }
0x2c: {  	s7 =	sld [smem:$0x3FB1]  }
0x2d: {  	s3 =	simm.s32 $0x108;
	s8 =	sld [smem:$0x3FB2]  }
0x2e: {  	s3 =	simm.s32 @!p0 $0x1082;
	s9 =	sld [smem:$0x3FB3]  }
0x2f: {  	lr =	sadd.s32 s0, s3;
	s0 =	sld [smem:$0x3FAA]  }
0x30: {  	s3 =	sld [smem:$0x3FAD]  }
0x31: {  	[smem:$0x3FB6] =	sst s10  }
0x32: {  	s10 =	sld [smem:$0x3FB4];
	_ =	sdelay $0x3  }
0x33: {  	p0 =	seq.s32 s10, $0x1;
	s10 =	sld [smem:$0x3FB6];
	_ =	sdelay $0x3  }
0x34: {  	[smem:$0x3FB6] =	sst s10  }
0x35: {  	s10 =	sld [smem:$0x3FB5];
	_ =	sdelay $0x3  }
0x36: {  	p1 =	seq.s32 s10, $0x1;
	s10 =	sld [smem:$0x3FB6];
	_ =	sdelay $0x3  }
0x37: {  	[smem:$0x3FB6] =	sst s10  }
0x38: {  	s10 =	sld [smem:$0x3FB7]  }
0x39: {  	_ = 	snop;
	(pc) =	sbr.ind lr, $3  }
0x3a: {  	_ = 	snop  }
0x3b: {  	_ = 	snop  }
0x3c: {  	p2 =	seq.s32 s10, $0x1;
	s10 =	sld [smem:$0x3FB6]  }
0x3d: {  	_ =	shalt  }
0x3e: {  	_ =	shalt  }
0x3f: {  	_ =	shalt  }
0x40: {  	_ =	shalt  }
0x41: {  	_ =	shalt  }
0x42: {  	_ =	shalt  }
0x43: {  	_ =	shalt  }
0x44: {  	_ =	shalt  }
0x45: {  	_ =	shalt  }
0x46: {  	_ =	shalt  }
0x47: {  	_ =	shalt  }
0x48: {  	_ =	shalt  }
0x49: {  	_ =	shalt  }
0x4a: {  	_ =	shalt  }
0x4b: {  	_ =	shalt  }
0x4c: {  	_ =	shalt  }
0x4d: {  	_ =	shalt  }
0x4e: {  	_ =	shalt  }
0x4f: {  	_ =	shalt  }
0x50: {  	_ =	shalt  }
0x51: {  	_ =	shalt  }
0x52: {  	_ =	shalt  }
0x53: {  	_ =	shalt  }
0x54: {  	_ =	shalt  }
0x55: {  	_ =	shalt  }
0x56: {  	_ =	shalt  }
0x57: {  	_ =	shalt  }
0x58: {  	_ =	shalt  }
0x59: {  	_ =	shalt  }
0x5a: {  	_ =	shalt  }
0x5b: {  	_ =	shalt  }
0x5c: {  	_ =	shalt  }
0x5d: {  	_ =	shalt  }
0x5e: {  	_ =	shalt  }
0x5f: {  	_ =	shalt  }
0x60: {  	_ =	shalt  }
0x61: {  	_ =	shalt  }
0x62: {  	_ =	shalt  }
0x63: {  	_ =	shalt  }
0x64: {  	_ =	shalt  }
0x65: {  	_ =	shalt  }
0x66: {  	_ =	shalt  }
0x67: {  	_ =	shalt  }
0x68: {  	_ =	shalt  }
0x69: {  	_ =	shalt  }
0x6a: {  	_ =	shalt  }
0x6b: {  	_ =	shalt  }
0x6c: {  	_ =	shalt  }
0x6d: {  	_ =	shalt  }
0x6e: {  	_ =	shalt  }
0x6f: {  	_ =	shalt  }
0x70: {  	_ =	shalt  }
0x71: {  	_ =	shalt  }
0x72: {  	_ =	shalt  }
0x73: {  	_ =	shalt  }
0x74: {  	_ =	shalt  }
0x75: {  	_ =	shalt  }
0x76: {  	_ =	shalt  }
0x77: {  	_ =	shalt  }
0x78: {  	_ =	shalt  }
0x79: {  	_ =	shalt  }
0x7a: {  	_ =	shalt  }
0x7b: {  	_ =	shalt  }
0x7c: {  	_ =	shalt  }
0x7d: {  	_ =	shalt  }
0x7e: {  	_ =	shalt  }
0x7f: {  	_ =	shalt  }
0x80: {  	_ =	shalt  }
0x81: {  	_ =	shalt  }
0x82: {  	_ =	shalt  }
0x83: {  	_ =	shalt  }
0x84: {  	_ =	shalt  }
0x85: {  	_ =	shalt  }
0x86: {  	_ =	shalt  }
0x87: {  	_ =	shalt  }
.Lfunc_end0:
.L_simem_size_0:
called_computation.3_lowered:
.L_overlay_start_0:
0x88: {  	s2 =	sld [smem:$0x3FD9]  }
0x89: {  	s3 =	sld [smem:$0x3FFE];
	_ =	sdelay $0x1  }
0x8a: {  	s1 =	srdreg.scid  }
0x8b: {  	s0 =	sand.u32 $0x1, s1  }
0x8c: {  	s15 =	sshll.u32 s0, $0xA;
	s2 =	sadd.s32 s3, s2  }
0x8d: {  	s2 =	sadd.s32 s2, s15  }
0x8e: {  	[smem:$0x3FC2] =	sst s2  }
0x8f: {  	_ = 	snop  }
0x90: {  	s2 =	sld [smem:$0x3FD0];
	_ =	sdelay $0x2  }
0x91: {  	s16 =	simm.s32 $0xC;
	s4 =	simm.s32 $0x10  }
0x92: {  	[smem:s4], [sflag:s16] =	dma.local [hbm:s2], $0x1  }
0x93: {  	_ =	swait.eq [sflag:s16], $0x1  }
0x94: {  	[sflag:s16] =	ssyncset.done $0x0  }
0x95: {  	[sflag:s16] =	ssyncadd.s32 $0xFFFFFFFF  }
0x96: {  	s17 =	sld [smem:$0x11];
	(tm) =	ssettm $0x1  }
0x97: {  	s18 =	sld [smem:$0x3FFB];
	_ =	sdelay $0x3  }
0x98: {  	_ =	strace s18  }
0x99: {  	s2 =	sld [smem:$0x3FFC];
	_ =	sdelay $0x3  }
0x9a: {  	_ =	strace s2  }
0x9b: {  	s2 =	sld [smem:$0x3FFD];
	_ =	sdelay $0x3  }
0x9c: {  	_ =	strace s2  }
0x9d: {  	_ =	strace $0x8FFFFFFF  }
0x9e: {  	s19 =	sld [smem:$0x3FDB];
	_ =	sdelay $0x1  }
0x9f: {  	s20 =	simm.s32 $_scs_section_size  }
0xa0: {  	s5 =	simm.s32 $_size__tile_overlayer_lowered;
	s6 =	simm.s32 $_tile_overlayer_lowered  }
0xa1: {  	s7 =	simm.s32 $0x1BFF;
	s21 =	sshll.u32 s6, $0x1;
	s4 =	sadd.s32 s20, s19  }
0xa2: {  	s22 =	simm.s32 $0x0;
	s5 =	sshll.u32 s5, $0x1;
	s6 =	sadd.s32 s21, s4  }
0xa3: {  	[timem:s22], [sflag:s7] =	dma.local [hbm:s6], s5  }
0xa4: {  	_ =	swait.ge [sflag:s7], s5  }
0xa5: {  	s5 =	ssub.s32 $0x0, s5;
	[sflag:s7] =	ssyncset.done $0x0  }
0xa6: {  	[sflag:s7] =	ssyncadd.s32 s5;
	_ =	sdelay $0x1  }
0xa7: {  	s23 =	simm.s32 $0x1B8B  }
0xa8: {  	_ =	swait.ge [sflag:s23], $0x1  }
0xa9: {  	[sflag:s23] =	ssyncset.done $0x0  }
0xaa: {  	[sflag:s23] =	ssyncadd.s32 $0xFFFFFFFF  }
0xab: {  	s5 =	sld [smem:$0x0]  }
0xac: {  	s6 =	sand.u32 $0xFFFFFFFE, s1  }
0xad: {  	p0 =	sne.s32 s1, s6  }
0xae: {  	s6 =	sshll.u32 @p0 s6, $0xE  }
0xaf: {  	s6 =	sadd.s32 @p0 $0x11B8D, s6;
	s7 =	sshll.u32 @p0 s5, $0x11  }
0xb0: {  	s6 =	sor.u32 @p0 s7, s6  }
0xb1: {  	[sflag:s6] =	ssyncadd.remote.s32 @p0 $0x1;
	_ =	sdelay $0x1  }
0xb2: {  	s6 =	simm.s32 @p0 $0x1B8D  }
0xb3: {  	_ =	swait.eq @p0 [sflag:s6], $0x1  }
0xb4: {  	[sflag:s6] =	ssyncadd.s32 @p0 $0xFFFFFFFF  }
0xb5: {  	s7 =	sshll.u32 @!p0 s1, $0xE  }
0xb6: {  	s7 =	sor.u32 @!p0 $0x4000, s7;
	s6 =	simm.s32 @!p0 $0x1B8D  }
0xb7: {  	s5 =	sshll.u32 @!p0 s5, $0x11;
	s7 =	sadd.s32 @!p0 $0x11B8D, s7;
	_ =	swait.eq @!p0 [sflag:s6], $0x1  }
0xb8: {  	s5 =	sor.u32 @!p0 s5, s7;
	[sflag:s6] =	ssyncadd.s32 @!p0 $0xFFFFFFFF  }
0xb9: {  	s25 =	simm.s32 $0x1B8E;
	s24 =	sld [smem:$0x3FFE];
	[sflag:s5] =	ssyncadd.remote.s32 @!p0 $0x1  }
0xba: {  	s26 =	simm.s32 $execute0_lowered;
	[smem:$0x3FD2] =	sst s25  }
0xbb: {  	s6 =	sshll.u32 s26, $0x1;
	_ =	strace $0x80000049;
	[dreg:$0x1] =	wrdreg $0xFFFFFFFF  }
0xbc: {  	s28 =	simm.s32 $_size_execute0_lowered;
	s4 =	sadd.s32 s4, s6;
	[dreg:$0x0] =	wrdreg $0x0  }
0xbd: {  	s6 =	sshll.u32 s28, $0x1;
	[dreg:$0x2] =	wrdreg s4  }
0xbe: {  	[dreg:$0x3] =	wrdreg s6  }
0xbf: {  	[dreg:$0x4] =	wrdreg $0xC0  }
0xc0: {  	_ =	task [dreg:s22], $0x5FFFF  }
0xc1: {  	[dreg:$0x1] =	wrdreg $0xFFFFFFFF  }
0xc2: {  	[dreg:$0x0] =	wrdreg $0x60  }
0xc3: {  	[dreg:$0x2] =	wrdreg s24  }
0xc4: {  	[dreg:$0x3] =	wrdreg s17  }
0xc5: {  	[dreg:$0x4] =	wrdreg $0xB  }
0xc6: {  	_ =	task.clear_ibuf [dreg:s22], $0x5FFFF;
	_ =	strace $0x90000049  }
0xc7: {  	s29 =	simm.s32 $0xB;
	_ =	strace $0x8000004B  }
0xc8: {  	_ =	swait.ge [sflag:s29], $0x1  }
0xc9: {  	[sflag:s29] =	ssyncadd.s32 $0xFFFFFFFF  }
0xca: {  	_ =	strace $0x9000004B  }
0xcb: {  	_ =	sfence  }
0xcc: {  	s30 =	sld [smem:$0x0];
	_ =	sdelay $0x2  }
0xcd: {  	s31 =	sshll.u32 s1, $0xD;
	s1 =	sshrl.u32 s1, $0x2  }
0xce: {  	s4 =	sand.u32 $0x4000, s31;
	s1 =	sadd.s32 s1, s30  }
0xcf: {  	s0 =	sor.u32 s4, s0;
	s1 =	sshll.u32 s1, $0x11  }
0xd0: {  	s0 =	sor.u32 s1, s0  }
0xd1: {  	s0 =	sadd.s32 $0x8F2B, s0  }
0xd2: {  	[sflag:s0] =	ssyncadd.remote.s32 $0x1  }
0xd3: {  	_ =	sfence.sel $0xFFFF  }
0xd4: {  	[dreg:$0x0] =	wrdreg $0xFFFFFFFF;
	(pc) =	sbr.abs _section_cstart, $3  }
0xd5: {  	[dreg:$0x1] =	wrdreg $0xFFFFFFFF  }
0xd6: {  	_ =	task.clear_ibuf [dreg:s22], $0x2FFFF;
	_ =	strace $0x9FFFFFFF  }
0xd7: {  	(tm) =	ssettm $0x7FFFFFFF  }
tec
execute0_lowered:
.L_overlay_start_1:
0x0: {  	(tag) =	ssettag $0x1  }
0x1: {  	s3 =	rddreg [dreg:$0x0]  }
0x2: {  	s11 =	rddreg [dreg:$0x1];
	s2 =	srdreg.scid  }
0x3: {  	s0 =	rddreg [dreg:$0x2];
	s1 =	stileid.u32  }
0x4: {  	s13 =	simm.s32 $0x4000;
	s14 =	simm.s32 $0x3;
	s15 =	simm.s32 $0x2800  }
0x5: {  	s16 =	simm.s32 $0xA800;
	s17 =	simm.s32 $0x1;
	s18 =	simm.s32 $0x40  }
0x6: {  	s19 =	simm.s32 $0x500;
	s20 =	simm.s32 $0x2;
	s21 =	simm.s32 $0x400  }
0x7: {  	s22 =	simm.s32 $0x2600;
	s23 =	simm.s32 $0x0;
	s4 =	sand.u32 $0x1, s2  }
0x8: {  	s2 =	simm.s32 $0x0;
	s5 =	sshll.u32 s1, $0xA;
	s8 =	smul.u32 $0x140000, s1  }
0x9: {  	s6 =	sshll.u32 s4, $0x9;
	[smem:$0x7FF] =	sst s2;
	s7 =	ssub.s32 $0x2, s4  }
0xa: {  	s10 =	smul.u32 $0xA0000, s4;
	s5 =	sor.u32 s6, s5;
	_ =	strace $0x8000004A  }
0xb: {  	s9 =	sshrl.u32 s7, $0x1;
	s6 =	sshrl.u32 s5, $0x3;
	s5 =	smul.u32 $0x500, s5  }
0xc: {  	s9 =	ssub.s32 s7, s9;
	s8 =	sadd.s32 s10, s8;
	s6 =	sadd.s32 s6, s3  }
0xd: {  	s3 =	sadd.s32 $0xC200, s3;
	s10 =	sor.u32 $0x80, s8;
	s12 =	sor.u32 $0xC0, s8  }
0xe: {  	s9 =	smax.u32 s9, $0x1;
	s5 =	sshrl.u32 s5, $0x3;
	s10 =	sshrl.u32 s10, $0x3  }
0xf: {  	s12 =	sshrl.u32 s12, $0x3;
	s4 =	sadd.s32 s11, s5;
	s5 =	sadd.s32 $0xCF800, s6  }
0x10: {  	s10 =	sadd.s32 s10, s11;
	s11 =	sadd.s32 s12, s11;
	s12 =	simm.s32 $0x200  }
0x11: {  	s6 =	sadd.s32 $0x8, s4;
	s7 =	sadd.s32 $0x90, s4;
	s8 =	sadd.s32 $0x98, s4  }
.LBB2_1:
0x12: {  	[tilespmem:s2], [sflag:$0x3] =	stream.strided.gather [hbm4b:s5+s12], $0x2800, s13, s12, $0x38;
	[tilespmem:$0x12800] =	vst v63  }
0x13: {  	_ =	swait.ge [sflag:s14], $0x2800  }
0x14: {  	[sflag:s14] =	ssyncset.done $0x0  }
0x15: {  	[sflag:s14] =	ssyncadd.s32 $0xFFFFD800  }
0x16: {  	[tilespmem:s15], [sflag:$0x1] =	stream.indirect.gather [hbm4b:s3+s12], $0x40, s2, s12, $0xb8;
	[tilespmem:$0x12800] =	vst v63  }
0x17: {  	_ = 	snop  }
0x18: {  	[tilespmem:s16], [sflag:$0x1] =	stream.indirect.gather [hbm4b:s3+s12], $0x40, s12, s12, $0xb8;
	[tilespmem:$0x12800] =	vst v63  }
0x19: {  	_ =	swait.ge [sflag:s17], $0x8000  }
0x1a: {  	[sflag:s17] =	ssyncset.done $0x0  }
0x1b: {  	[sflag:s17] =	ssyncadd.s32 $0xFFFF8000  }
0x1c: {  	[hbm4b:s4+s18] =	stream.strided.scatter [tilespmem:s15], [sflag:$0x2], $0x8000, s19, s18, $0x38;
	[tilespmem:$0x12800] =	vst v63  }
0x1d: {  	_ =	swait.ge [sflag:s20], $0x8000  }
0x1e: {  	[sflag:s20] =	ssyncset.done $0x0  }
0x1f: {  	[sflag:s20] =	ssyncadd.s32 $0xFFFF8000  }
0x20: {  	[tilespmem:s15], [sflag:$0x1] =	stream.indirect.gather [hbm4b:s3+s12], $0x40, s21, s12, $0xb8;
	[tilespmem:$0x12800] =	vst v63  }
0x21: {  	_ =	swait.ge [sflag:s17], $0x8000  }
0x22: {  	[sflag:s17] =	ssyncset.done $0x0  }
0x23: {  	[sflag:s17] =	ssyncadd.s32 $0xFFFF8000  }
0x24: {  	[hbm4b:s6+s18] =	stream.strided.scatter [tilespmem:s16], [sflag:$0x2], $0x8000, s19, s18, $0x38;
	[tilespmem:$0x12800] =	vst v63  }
0x25: {  	_ =	swait.ge [sflag:s20], $0x8000  }
0x26: {  	[sflag:s20] =	ssyncset.done $0x0  }
0x27: {  	s24 =	simm.s32 $0x600;
	[sflag:s20] =	ssyncadd.s32 $0xFFFF8000  }
0x28: {  	[tilespmem:s16], [sflag:$0x1] =	stream.indirect.gather [hbm4b:s3+s12], $0x40, s24, s12, $0xb8;
	[tilespmem:$0x12800] =	vst v63  }
0x29: {  	_ =	swait.ge [sflag:s17], $0x8000  }
0x2a: {  	[sflag:s17] =	ssyncset.done $0x0  }
0x2b: {  	s30 =	sadd.s32 $0x0, s10;
	[sflag:s17] =	ssyncadd.s32 $0xFFFF8000  }
0x2c: {  	[hbm4b:s30+s18] =	stream.strided.scatter [tilespmem:s15], [sflag:$0x2], $0x8000, s19, s18, $0x38;
	[tilespmem:$0x12800] =	vst v63  }
0x2d: {  	_ =	swait.ge [sflag:s20], $0x8000  }
0x2e: {  	[sflag:s20] =	ssyncset.done $0x0  }
0x2f: {  	s31 =	simm.s32 $0x800;
	[sflag:s20] =	ssyncadd.s32 $0xFFFF8000  }
0x30: {  	[tilespmem:s15], [sflag:$0x1] =	stream.indirect.gather [hbm4b:s3+s12], $0x40, s31, s12, $0xb8;
	[tilespmem:$0x12800] =	vst v63  }
0x31: {  	_ =	swait.ge [sflag:s17], $0x8000  }
0x32: {  	s26 =	sadd.s32 $0x0, s11;
	[sflag:s17] =	ssyncset.done $0x0  }
0x33: {  	s25 =	simm.s32 $0xC00;
	s24 =	simm.s32 $0x10;
	[sflag:s17] =	ssyncadd.s32 $0xFFFF8000  }
.LBB2_2:
0x34: {  	[hbm4b:s26+s18] =	stream.strided.scatter [tilespmem:s16], [sflag:$0x2], $0x8000, s19, s18, $0x38;
	[tilespmem:$0x12800] =	vst v63  }
0x35: {  	s26 =	smov.u32 s24  }
0x36: {  	p0 =	sne.s32 s24, $0x70;
	s24 =	sadd.s32 $0x10, s24;
	_ =	swait.ge [sflag:s20], $0x8000  }
0x37: {  	[sflag:s20] =	ssyncset.done $0x0  }
0x38: {  	s28 =	sadd.s32 $0xFFFFFE00, s25;
	[sflag:s20] =	ssyncadd.s32 $0xFFFF8000  }
0x39: {  	[tilespmem:s16], [sflag:$0x1] =	stream.indirect.gather [hbm4b:s3+s12], $0x40, s28, s12, $0xb8;
	[tilespmem:$0x12800] =	vst v63  }
0x3a: {  	_ =	swait.ge [sflag:s17], $0x8000  }
0x3b: {  	[sflag:s17] =	ssyncset.done $0x0  }
0x3c: {  	s28 =	sadd.s32 s26, s10;
	[sflag:s17] =	ssyncadd.s32 $0xFFFF8000  }
0x3d: {  	[hbm4b:s28+s18] =	stream.strided.scatter [tilespmem:s15], [sflag:$0x2], $0x8000, s19, s18, $0x38;
	[tilespmem:$0x12800] =	vst v63  }
0x3e: {  	_ =	swait.ge [sflag:s20], $0x8000  }
0x3f: {  	[sflag:s20] =	ssyncset.done $0x0  }
.Ltmp0:
0x40: {  	[sflag:s20] =	ssyncadd.s32 $0xFFFF8000;
	(pc) =	sbr.rel @p0 .LBB2_2-.Ltmp0, $4  }
0x41: {  	[tilespmem:s15], [sflag:$0x1] =	stream.indirect.gather [hbm4b:s3+s12], $0x40, s25, s12, $0xb8;
	[tilespmem:$0x12800] =	vst v63  }
0x42: {  	_ =	swait.ge [sflag:s17], $0x8000  }
0x43: {  	[sflag:s17] =	ssyncset.done $0x0  }
0x44: {  	s26 =	sadd.s32 s26, s11;
	s25 =	sadd.s32 $0x400, s25;
	[sflag:s17] =	ssyncadd.s32 $0xFFFF8000  }
0x45: {  	[hbm4b:s26+s18] =	stream.strided.scatter [tilespmem:s16], [sflag:$0x2], $0x8000, s19, s18, $0x38;
	[tilespmem:$0x12800] =	vst v63  }
0x46: {  	_ =	swait.ge [sflag:s20], $0x8000  }
0x47: {  	[sflag:s20] =	ssyncset.done $0x0  }
0x48: {  	[sflag:s20] =	ssyncadd.s32 $0xFFFF8000  }
0x49: {  	[tilespmem:s16], [sflag:$0x1] =	stream.indirect.gather [hbm4b:s3+s12], $0x40, s22, s12, $0xb8;
	[tilespmem:$0x12800] =	vst v63  }
0x4a: {  	_ =	swait.ge [sflag:s17], $0x8000  }
0x4b: {  	[sflag:s17] =	ssyncset.done $0x0  }
0x4c: {  	[sflag:s17] =	ssyncadd.s32 $0xFFFF8000  }
0x4d: {  	[hbm4b:s7+s18] =	stream.strided.scatter [tilespmem:s15], [sflag:$0x2], $0x8000, s19, s18, $0x38;
	[tilespmem:$0x12800] =	vst v63  }
0x4e: {  	_ =	swait.ge [sflag:s20], $0x8000  }
0x4f: {  	[sflag:s20] =	ssyncset.done $0x0  }
0x50: {  	[sflag:s20] =	ssyncadd.s32 $0xFFFF8000  }
0x51: {  	s23 =	sadd.s32 $0x1, s23;
	_ =	swait.ge [sflag:s17], $0x8000  }
0x52: {  	p0 =	sne.s32 s23, s9;
	[sflag:s17] =	ssyncset.done $0x0  }
.Ltmp1:
0x53: {  	[sflag:s17] =	ssyncadd.s32 $0xFFFF8000;
	(pc) =	sbr.rel @p0 .LBB2_1-.Ltmp1, $4  }
0x54: {  	[hbm4b:s8+s18] =	stream.strided.scatter [tilespmem:s16], [sflag:$0x2], $0x8000, s19, s18, $0x38;
	[tilespmem:$0x12800] =	vst v63  }
0x55: {  	_ =	swait.ge [sflag:s20], $0x8000  }
0x56: {  	[sflag:s20] =	ssyncset.done $0x0  }
0x57: {  	[sflag:s20] =	ssyncadd.s32 $0xFFFF8000  }
0x58: {  	_ =	sfence.sel $0x180000  }
0x59: {  	[bflag:$0x0] =	sbarrier.arrive $0xFFFF  }
0x5a: {  	p0 =	sne.s32 s1, $0x0;
	_ =	strace $0x9000004A  }
0x5b: {  	s0 =	sadd.s32 @!p0 $0x100000, s0;
	[bflag:$0x2] =	sbarrier.arrive $0xFFFF  }
0x5c: {  	[sflag:s0] =	ssyncadd.tile.s32 @!p0 $0x1;
	_ =	shalt  }
.Lfunc_end2:
_tile_overlayer_lowered:
.L_overlay_start_2:
0x5d: {  	(tag) =	ssettag $0x2  }
0x5e: {  	s0 =	rddreg [dreg:$0x0];
	s2 =	stileid.u32  }
0x5f: {  	s1 =	rddreg [dreg:$0x1];
	p0 =	sne.s32 s2, $0x0  }
0x60: {  	s3 =	rddreg [dreg:$0x2];
	[bflag:$0x3] =	sbarrier.arrive $0xFFFF;
	s2 =	simm.s32 @!p0 $0x1C03  }
0x61: {  	[timem:s3], [sflag:s2] =	dma.local @!p0 [hbm:s0], s1  }
0x62: {  	s0 =	simm.s32 @!p0 $0x3  }
0x63: {  	_ =	swait.ge @!p0 [sflag:s0], s1  }
0x64: {  	s1 =	ssub.s32 @!p0 $0x0, s1;
	[sflag:s0] =	ssyncset.done @!p0 $0x0  }
0x65: {  	[sflag:s0] =	ssyncadd.s32 @!p0 s1  }
0x66: {  	[bflag:$0x3] =	sbarrier.arrive $0xFFFF  }
0x67: {  	_ =	shalt  }

// kernel: kernel.8.cloned.1.call-start
scs
__scs_entry_jumppad:
0x0: {  	(pc) =	sbr.rel $0x88, $3  }
0x1: {  	(tag) =	ssettag $0x0;
	lr =	simm.s32 $0x1  }
0x2: {  	[smem:$0x3F9B] =	sst lr;
	_ =	strace $0xD0000000  }
0x3: {  	_ = 	snop  }
0x4: {  	_ = 	snop  }
0x5: {  	_ = 	snop  }
0x6: {  	_ = 	snop  }
0x7: {  	_ = 	snop  }
__scs_overlays_trampoline_lowered:
0x8: {  	[smem:$0x3FAA] =	sst s0  }
0x9: {  	[smem:$0x3FAB] =	sst s1  }
0xa: {  	[smem:$0x3FAC] =	sst s2  }
0xb: {  	[smem:$0x3FAD] =	sst s3  }
0xc: {  	[smem:$0x3FAE] =	sst s4  }
0xd: {  	[smem:$0x3FAF] =	sst s5  }
0xe: {  	[smem:$0x3FB0] =	sst s6  }
0xf: {  	[smem:$0x3FB1] =	sst s7  }
0x10: {  	[smem:$0x3FB2] =	sst s8  }
0x11: {  	[smem:$0x3FB3] =	sst s9;
	s0 =	simm.s32 @!p0 $0x0  }
0x12: {  	s1 =	sld [smem:$0x3F99];
	s0 =	simm.s32 @p0 $0x1  }
0x13: {  	[smem:$0x3FB4] =	sst s0;
	s0 =	simm.s32 @!p1 $0x0  }
0x14: {  	s2 =	sld [smem:$0x3F98];
	s0 =	simm.s32 @p1 $0x1  }
0x15: {  	[smem:$0x3FB5] =	sst s0;
	s0 =	simm.s32 @!p2 $0x0  }
0x16: {  	s3 =	sld [smem:$0x3FDB];
	s0 =	simm.s32 @p2 $0x1  }
0x17: {  	s4 =	simm.s32 $0x1BF5;
	[smem:$0x3FB7] =	sst s0  }
0x18: {  	s0 =	sld [smem:$0x3F9A];
	_ =	swait.ge [sflag:s4], $0x0  }
0x19: {  	s7 =	sld [smem:$0x3F9B]  }
0x1a: {  	s8 =	sadd.s32 $0xFFFFE003, lr  }
0x1b: {  	s9 =	sadd.s32 $0xFFFFFEF7, lr;
	s5 =	simm.s32 $0xFFFFFFFF;
	p2 =	slt.u32 s8, $0xFFFFF086  }
0x1c: {  	p1 =	slt.u32 s9, $0xF7A;
	s5 =	simm.s32 @!p2 $0x0  }
0x1d: {  	s5 =	simm.s32 @p1 $0x1;
	p0 =	seq.s32 s7, s2  }
0x1e: {  	s7 =	smul.u32 @!p0 $0xF7A, s2;
	p2 =	seq.s32 @!p0 s5, $0x0  }
0x1f: {  	s9 =	smul.u32 $0xF7A, s1;
	s8 =	simm.s32 @!p0 $0x1BF5;
	p2 =	por !p2, p0  }
0x20: {  	[sflag:s8] =	ssyncset.s32 @!p0 $0xFFFFF086;
	s6 =	sadd.s32 @!p0 s3, s7;
	s7 =	simm.s32 @!p0 $0x108  }
0x21: {  	s3 =	sadd.s32 s3, s9;
	s6 =	sadd.s32 @!p0 $0x88, s6;
	s7 =	simm.s32 @p2 $0x1082  }
0x22: {  	[simem:s7], [sflag:s8] =	dma.local @!p0 [hbm:s6], $0xF7A  }
0x23: {  	s9 =	sor.u32 $0xD0000000, s2;
	s6 =	simm.s32 $0x108;
	_ =	swait.ge @!p0 [sflag:s8], $0x0  }
0x24: {  	s3 =	sadd.s32 $0x88, s3;
	s6 =	simm.s32 @!p1 $0x1082;
	[sflag:s4] =	ssyncset.s32 $0xFFFFF086  }
0x25: {  	[simem:s6], [sflag:s4] =	dma.local [hbm:s3], $0xF7A  }
0x26: {  	[smem:$0x3F9B] =	sst s1;
	(tag) =	ssettag s2;
	_ =	strace s9  }
0x27: {  	s1 =	sld [smem:$0x3FAB]  }
0x28: {  	s2 =	sld [smem:$0x3FAC]  }
0x29: {  	s4 =	sld [smem:$0x3FAE]  }
0x2a: {  	p0 =	seq.s32 s5, $0x0;
	s5 =	sld [smem:$0x3FAF]  }
0x2b: {  	s6 =	sld [smem:$0x3FB0]  }
0x2c: {  	s7 =	sld [smem:$0x3FB1]  }
0x2d: {  	s3 =	simm.s32 $0x108;
	s8 =	sld [smem:$0x3FB2]  }
0x2e: {  	s3 =	simm.s32 @!p0 $0x1082;
	s9 =	sld [smem:$0x3FB3]  }
0x2f: {  	lr =	sadd.s32 s0, s3;
	s0 =	sld [smem:$0x3FAA]  }
0x30: {  	s3 =	sld [smem:$0x3FAD]  }
0x31: {  	[smem:$0x3FB6] =	sst s10  }
0x32: {  	s10 =	sld [smem:$0x3FB4];
	_ =	sdelay $0x3  }
0x33: {  	p0 =	seq.s32 s10, $0x1;
	s10 =	sld [smem:$0x3FB6];
	_ =	sdelay $0x3  }
0x34: {  	[smem:$0x3FB6] =	sst s10  }
0x35: {  	s10 =	sld [smem:$0x3FB5];
	_ =	sdelay $0x3  }
0x36: {  	p1 =	seq.s32 s10, $0x1;
	s10 =	sld [smem:$0x3FB6];
	_ =	sdelay $0x3  }
0x37: {  	[smem:$0x3FB6] =	sst s10  }
0x38: {  	s10 =	sld [smem:$0x3FB7]  }
0x39: {  	_ = 	snop;
	(pc) =	sbr.ind lr, $3  }
0x3a: {  	_ = 	snop  }
0x3b: {  	_ = 	snop  }
0x3c: {  	p2 =	seq.s32 s10, $0x1;
	s10 =	sld [smem:$0x3FB6]  }
0x3d: {  	_ =	shalt  }
0x3e: {  	_ =	shalt  }
0x3f: {  	_ =	shalt  }
0x40: {  	_ =	shalt  }
0x41: {  	_ =	shalt  }
0x42: {  	_ =	shalt  }
0x43: {  	_ =	shalt  }
0x44: {  	_ =	shalt  }
0x45: {  	_ =	shalt  }
0x46: {  	_ =	shalt  }
0x47: {  	_ =	shalt  }
0x48: {  	_ =	shalt  }
0x49: {  	_ =	shalt  }
0x4a: {  	_ =	shalt  }
0x4b: {  	_ =	shalt  }
0x4c: {  	_ =	shalt  }
0x4d: {  	_ =	shalt  }
0x4e: {  	_ =	shalt  }
0x4f: {  	_ =	shalt  }
0x50: {  	_ =	shalt  }
0x51: {  	_ =	shalt  }
0x52: {  	_ =	shalt  }
0x53: {  	_ =	shalt  }
0x54: {  	_ =	shalt  }
0x55: {  	_ =	shalt  }
0x56: {  	_ =	shalt  }
0x57: {  	_ =	shalt  }
0x58: {  	_ =	shalt  }
0x59: {  	_ =	shalt  }
0x5a: {  	_ =	shalt  }
0x5b: {  	_ =	shalt  }
0x5c: {  	_ =	shalt  }
0x5d: {  	_ =	shalt  }
0x5e: {  	_ =	shalt  }
0x5f: {  	_ =	shalt  }
0x60: {  	_ =	shalt  }
0x61: {  	_ =	shalt  }
0x62: {  	_ =	shalt  }
0x63: {  	_ =	shalt  }
0x64: {  	_ =	shalt  }
0x65: {  	_ =	shalt  }
0x66: {  	_ =	shalt  }
0x67: {  	_ =	shalt  }
0x68: {  	_ =	shalt  }
0x69: {  	_ =	shalt  }
0x6a: {  	_ =	shalt  }
0x6b: {  	_ =	shalt  }
0x6c: {  	_ =	shalt  }
0x6d: {  	_ =	shalt  }
0x6e: {  	_ =	shalt  }
0x6f: {  	_ =	shalt  }
0x70: {  	_ =	shalt  }
0x71: {  	_ =	shalt  }
0x72: {  	_ =	shalt  }
0x73: {  	_ =	shalt  }
0x74: {  	_ =	shalt  }
0x75: {  	_ =	shalt  }
0x76: {  	_ =	shalt  }
0x77: {  	_ =	shalt  }
0x78: {  	_ =	shalt  }
0x79: {  	_ =	shalt  }
0x7a: {  	_ =	shalt  }
0x7b: {  	_ =	shalt  }
0x7c: {  	_ =	shalt  }
0x7d: {  	_ =	shalt  }
0x7e: {  	_ =	shalt  }
0x7f: {  	_ =	shalt  }
0x80: {  	_ =	shalt  }
0x81: {  	_ =	shalt  }
0x82: {  	_ =	shalt  }
0x83: {  	_ =	shalt  }
0x84: {  	_ =	shalt  }
0x85: {  	_ =	shalt  }
0x86: {  	_ =	shalt  }
0x87: {  	_ =	shalt  }
.Lfunc_end0:
.L_simem_size_0:
called_computation.4_lowered:
.L_overlay_start_0:
0x88: {  	s2 =	sld [smem:$0x3FD9]  }
0x89: {  	s3 =	sld [smem:$0x3FFE];
	_ =	sdelay $0x1  }
0x8a: {  	s1 =	srdreg.scid  }
0x8b: {  	s0 =	sand.u32 $0x1, s1  }
0x8c: {  	s15 =	sshll.u32 s0, $0xA;
	s2 =	sadd.s32 s3, s2  }
0x8d: {  	s2 =	sadd.s32 s2, s15  }
0x8e: {  	[smem:$0x3FC2] =	sst s2  }
0x8f: {  	_ = 	snop  }
0x90: {  	s2 =	sld [smem:$0x3FD0];
	_ =	sdelay $0x2  }
0x91: {  	s16 =	simm.s32 $0xC;
	s4 =	simm.s32 $0x10  }
0x92: {  	[smem:s4], [sflag:s16] =	dma.local [hbm:s2], $0x1  }
0x93: {  	_ =	swait.eq [sflag:s16], $0x1  }
0x94: {  	[sflag:s16] =	ssyncset.done $0x0  }
0x95: {  	[sflag:s16] =	ssyncadd.s32 $0xFFFFFFFF  }
0x96: {  	s17 =	sld [smem:$0x12];
	(tm) =	ssettm $0x1  }
0x97: {  	s18 =	sld [smem:$0x3FFB];
	_ =	sdelay $0x3  }
0x98: {  	_ =	strace s18  }
0x99: {  	s2 =	sld [smem:$0x3FFC];
	_ =	sdelay $0x3  }
0x9a: {  	_ =	strace s2  }
0x9b: {  	s2 =	sld [smem:$0x3FFD];
	_ =	sdelay $0x3  }
0x9c: {  	_ =	strace s2  }
0x9d: {  	_ =	strace $0x8FFFFFFF  }
0x9e: {  	s19 =	sld [smem:$0x3FDB];
	_ =	sdelay $0x1  }
0x9f: {  	s20 =	simm.s32 $_scs_section_size  }
0xa0: {  	s5 =	simm.s32 $_size__tile_overlayer_lowered;
	s6 =	simm.s32 $_tile_overlayer_lowered  }
0xa1: {  	s7 =	simm.s32 $0x1BFF;
	s21 =	sshll.u32 s6, $0x1;
	s4 =	sadd.s32 s20, s19  }
0xa2: {  	s22 =	simm.s32 $0x0;
	s5 =	sshll.u32 s5, $0x1;
	s6 =	sadd.s32 s21, s4  }
0xa3: {  	[timem:s22], [sflag:s7] =	dma.local [hbm:s6], s5  }
0xa4: {  	_ =	swait.ge [sflag:s7], s5  }
0xa5: {  	s5 =	ssub.s32 $0x0, s5;
	[sflag:s7] =	ssyncset.done $0x0  }
0xa6: {  	[sflag:s7] =	ssyncadd.s32 s5;
	_ =	sdelay $0x1  }
0xa7: {  	s23 =	simm.s32 $0x1B8B  }
0xa8: {  	_ =	swait.ge [sflag:s23], $0x1  }
0xa9: {  	[sflag:s23] =	ssyncset.done $0x0  }
0xaa: {  	[sflag:s23] =	ssyncadd.s32 $0xFFFFFFFF  }
0xab: {  	s5 =	sld [smem:$0x0]  }
0xac: {  	s6 =	sand.u32 $0xFFFFFFFE, s1  }
0xad: {  	p0 =	sne.s32 s1, s6  }
0xae: {  	s6 =	sshll.u32 @p0 s6, $0xE  }
0xaf: {  	s6 =	sadd.s32 @p0 $0x11B8D, s6;
	s7 =	sshll.u32 @p0 s5, $0x11  }
0xb0: {  	s6 =	sor.u32 @p0 s7, s6  }
0xb1: {  	[sflag:s6] =	ssyncadd.remote.s32 @p0 $0x1;
	_ =	sdelay $0x1  }
0xb2: {  	s6 =	simm.s32 @p0 $0x1B8D  }
0xb3: {  	_ =	swait.eq @p0 [sflag:s6], $0x1  }
0xb4: {  	[sflag:s6] =	ssyncadd.s32 @p0 $0xFFFFFFFF  }
0xb5: {  	s7 =	sshll.u32 @!p0 s1, $0xE  }
0xb6: {  	s7 =	sor.u32 @!p0 $0x4000, s7;
	s6 =	simm.s32 @!p0 $0x1B8D  }
0xb7: {  	s5 =	sshll.u32 @!p0 s5, $0x11;
	s7 =	sadd.s32 @!p0 $0x11B8D, s7;
	_ =	swait.eq @!p0 [sflag:s6], $0x1  }
0xb8: {  	s5 =	sor.u32 @!p0 s5, s7;
	[sflag:s6] =	ssyncadd.s32 @!p0 $0xFFFFFFFF  }
0xb9: {  	s25 =	simm.s32 $0x1B8E;
	s24 =	sld [smem:$0x3FFE];
	[sflag:s5] =	ssyncadd.remote.s32 @!p0 $0x1  }
0xba: {  	s26 =	simm.s32 $execute0_lowered;
	[smem:$0x3FD2] =	sst s25  }
0xbb: {  	s6 =	sshll.u32 s26, $0x1;
	_ =	strace $0x8000004C;
	[dreg:$0x1] =	wrdreg $0xFFFFFFFF  }
0xbc: {  	s28 =	simm.s32 $_size_execute0_lowered;
	s4 =	sadd.s32 s4, s6;
	[dreg:$0x0] =	wrdreg $0x0  }
0xbd: {  	s6 =	sshll.u32 s28, $0x1;
	[dreg:$0x2] =	wrdreg s4  }
0xbe: {  	[dreg:$0x3] =	wrdreg s6  }
0xbf: {  	[dreg:$0x4] =	wrdreg $0xC0  }
0xc0: {  	_ =	task [dreg:s22], $0x5FFFF  }
0xc1: {  	[dreg:$0x1] =	wrdreg $0xFFFFFFFF  }
0xc2: {  	[dreg:$0x0] =	wrdreg $0x60  }
0xc3: {  	[dreg:$0x2] =	wrdreg s24  }
0xc4: {  	[dreg:$0x3] =	wrdreg s17  }
0xc5: {  	[dreg:$0x4] =	wrdreg $0xA  }
0xc6: {  	_ =	task.clear_ibuf [dreg:s22], $0x5FFFF;
	_ =	strace $0x9000004C  }
0xc7: {  	s29 =	simm.s32 $0xA;
	_ =	strace $0x8000004E  }
0xc8: {  	_ =	swait.ge [sflag:s29], $0x1  }
0xc9: {  	[sflag:s29] =	ssyncadd.s32 $0xFFFFFFFF  }
0xca: {  	_ =	strace $0x9000004E  }
0xcb: {  	_ =	sfence  }
0xcc: {  	s30 =	sld [smem:$0x0];
	_ =	sdelay $0x2  }
0xcd: {  	s31 =	sshll.u32 s1, $0xD;
	s1 =	sshrl.u32 s1, $0x2  }
0xce: {  	s4 =	sand.u32 $0x4000, s31;
	s1 =	sadd.s32 s1, s30  }
0xcf: {  	s0 =	sor.u32 s4, s0;
	s1 =	sshll.u32 s1, $0x11  }
0xd0: {  	s0 =	sor.u32 s1, s0  }
0xd1: {  	s0 =	sadd.s32 $0x8F2B, s0  }
0xd2: {  	[sflag:s0] =	ssyncadd.remote.s32 $0x1  }
0xd3: {  	_ =	sfence.sel $0xFFFF  }
0xd4: {  	[dreg:$0x0] =	wrdreg $0xFFFFFFFF;
	(pc) =	sbr.abs _section_cstart, $3  }
0xd5: {  	[dreg:$0x1] =	wrdreg $0xFFFFFFFF  }
0xd6: {  	_ =	task.clear_ibuf [dreg:s22], $0x2FFFF;
	_ =	strace $0x9FFFFFFF  }
0xd7: {  	(tm) =	ssettm $0x7FFFFFFF  }
tec
execute0_lowered:
.L_overlay_start_1:
0x0: {  	(tag) =	ssettag $0x1  }
0x1: {  	s3 =	rddreg [dreg:$0x0]  }
0x2: {  	s11 =	rddreg [dreg:$0x1];
	s2 =	srdreg.scid  }
0x3: {  	s0 =	rddreg [dreg:$0x2];
	s1 =	stileid.u32  }
0x4: {  	s13 =	simm.s32 $0x4000;
	s14 =	simm.s32 $0x3;
	s15 =	simm.s32 $0x2800  }
0x5: {  	s16 =	simm.s32 $0xA800;
	s17 =	simm.s32 $0x1;
	s18 =	simm.s32 $0x40  }
0x6: {  	s19 =	simm.s32 $0x500;
	s20 =	simm.s32 $0x2;
	s21 =	simm.s32 $0x400  }
0x7: {  	s22 =	simm.s32 $0x2600;
	s23 =	simm.s32 $0x0;
	s4 =	sand.u32 $0x1, s2  }
0x8: {  	s2 =	simm.s32 $0x0;
	s5 =	sshll.u32 s1, $0xA;
	s8 =	smul.u32 $0x140000, s1  }
0x9: {  	s6 =	sshll.u32 s4, $0x9;
	[smem:$0x7FF] =	sst s2;
	s7 =	ssub.s32 $0x2, s4  }
0xa: {  	s10 =	smul.u32 $0xA0000, s4;
	s5 =	sor.u32 s6, s5;
	_ =	strace $0x8000004D  }
0xb: {  	s9 =	sshrl.u32 s7, $0x1;
	s6 =	sshrl.u32 s5, $0x3;
	s5 =	smul.u32 $0x500, s5  }
0xc: {  	s9 =	ssub.s32 s7, s9;
	s8 =	sadd.s32 s10, s8;
	s6 =	sadd.s32 s6, s3  }
0xd: {  	s3 =	sadd.s32 $0xE3800, s3;
	s10 =	sor.u32 $0x80, s8;
	s12 =	sor.u32 $0xC0, s8  }
0xe: {  	s9 =	smax.u32 s9, $0x1;
	s5 =	sshrl.u32 s5, $0x3;
	s10 =	sshrl.u32 s10, $0x3  }
0xf: {  	s12 =	sshrl.u32 s12, $0x3;
	s4 =	sadd.s32 s11, s5;
	s5 =	sadd.s32 $0xD9800, s6  }
0x10: {  	s10 =	sadd.s32 s10, s11;
	s11 =	sadd.s32 s12, s11;
	s12 =	simm.s32 $0x200  }
0x11: {  	s6 =	sadd.s32 $0x8, s4;
	s7 =	sadd.s32 $0x90, s4;
	s8 =	sadd.s32 $0x98, s4  }
.LBB2_1:
0x12: {  	[tilespmem:s2], [sflag:$0x3] =	stream.strided.gather [hbm4b:s5+s12], $0x2800, s13, s12, $0x38;
	[tilespmem:$0x12800] =	vst v63  }
0x13: {  	_ =	swait.ge [sflag:s14], $0x2800  }
0x14: {  	[sflag:s14] =	ssyncset.done $0x0  }
0x15: {  	[sflag:s14] =	ssyncadd.s32 $0xFFFFD800  }
0x16: {  	[tilespmem:s15], [sflag:$0x1] =	stream.indirect.gather [hbm4b:s3+s12], $0x40, s2, s12, $0xb8;
	[tilespmem:$0x12800] =	vst v63  }
0x17: {  	_ = 	snop  }
0x18: {  	[tilespmem:s16], [sflag:$0x1] =	stream.indirect.gather [hbm4b:s3+s12], $0x40, s12, s12, $0xb8;
	[tilespmem:$0x12800] =	vst v63  }
0x19: {  	_ =	swait.ge [sflag:s17], $0x8000  }
0x1a: {  	[sflag:s17] =	ssyncset.done $0x0  }
0x1b: {  	[sflag:s17] =	ssyncadd.s32 $0xFFFF8000  }
0x1c: {  	[hbm4b:s4+s18] =	stream.strided.scatter [tilespmem:s15], [sflag:$0x2], $0x8000, s19, s18, $0x38;
	[tilespmem:$0x12800] =	vst v63  }
0x1d: {  	_ =	swait.ge [sflag:s20], $0x8000  }
0x1e: {  	[sflag:s20] =	ssyncset.done $0x0  }
0x1f: {  	[sflag:s20] =	ssyncadd.s32 $0xFFFF8000  }
0x20: {  	[tilespmem:s15], [sflag:$0x1] =	stream.indirect.gather [hbm4b:s3+s12], $0x40, s21, s12, $0xb8;
	[tilespmem:$0x12800] =	vst v63  }
0x21: {  	_ =	swait.ge [sflag:s17], $0x8000  }
0x22: {  	[sflag:s17] =	ssyncset.done $0x0  }
0x23: {  	[sflag:s17] =	ssyncadd.s32 $0xFFFF8000  }
0x24: {  	[hbm4b:s6+s18] =	stream.strided.scatter [tilespmem:s16], [sflag:$0x2], $0x8000, s19, s18, $0x38;
	[tilespmem:$0x12800] =	vst v63  }
0x25: {  	_ =	swait.ge [sflag:s20], $0x8000  }
0x26: {  	[sflag:s20] =	ssyncset.done $0x0  }
0x27: {  	s24 =	simm.s32 $0x600;
	[sflag:s20] =	ssyncadd.s32 $0xFFFF8000  }
0x28: {  	[tilespmem:s16], [sflag:$0x1] =	stream.indirect.gather [hbm4b:s3+s12], $0x40, s24, s12, $0xb8;
	[tilespmem:$0x12800] =	vst v63  }
0x29: {  	_ =	swait.ge [sflag:s17], $0x8000  }
0x2a: {  	[sflag:s17] =	ssyncset.done $0x0  }
0x2b: {  	s30 =	sadd.s32 $0x0, s10;
	[sflag:s17] =	ssyncadd.s32 $0xFFFF8000  }
0x2c: {  	[hbm4b:s30+s18] =	stream.strided.scatter [tilespmem:s15], [sflag:$0x2], $0x8000, s19, s18, $0x38;
	[tilespmem:$0x12800] =	vst v63  }
0x2d: {  	_ =	swait.ge [sflag:s20], $0x8000  }
0x2e: {  	[sflag:s20] =	ssyncset.done $0x0  }
0x2f: {  	s31 =	simm.s32 $0x800;
	[sflag:s20] =	ssyncadd.s32 $0xFFFF8000  }
0x30: {  	[tilespmem:s15], [sflag:$0x1] =	stream.indirect.gather [hbm4b:s3+s12], $0x40, s31, s12, $0xb8;
	[tilespmem:$0x12800] =	vst v63  }
0x31: {  	_ =	swait.ge [sflag:s17], $0x8000  }
0x32: {  	s26 =	sadd.s32 $0x0, s11;
	[sflag:s17] =	ssyncset.done $0x0  }
0x33: {  	s25 =	simm.s32 $0xC00;
	s24 =	simm.s32 $0x10;
	[sflag:s17] =	ssyncadd.s32 $0xFFFF8000  }
.LBB2_2:
0x34: {  	[hbm4b:s26+s18] =	stream.strided.scatter [tilespmem:s16], [sflag:$0x2], $0x8000, s19, s18, $0x38;
	[tilespmem:$0x12800] =	vst v63  }
0x35: {  	s26 =	smov.u32 s24  }
0x36: {  	p0 =	sne.s32 s24, $0x70;
	s24 =	sadd.s32 $0x10, s24;
	_ =	swait.ge [sflag:s20], $0x8000  }
0x37: {  	[sflag:s20] =	ssyncset.done $0x0  }
0x38: {  	s28 =	sadd.s32 $0xFFFFFE00, s25;
	[sflag:s20] =	ssyncadd.s32 $0xFFFF8000  }
0x39: {  	[tilespmem:s16], [sflag:$0x1] =	stream.indirect.gather [hbm4b:s3+s12], $0x40, s28, s12, $0xb8;
	[tilespmem:$0x12800] =	vst v63  }
0x3a: {  	_ =	swait.ge [sflag:s17], $0x8000  }
0x3b: {  	[sflag:s17] =	ssyncset.done $0x0  }
0x3c: {  	s28 =	sadd.s32 s26, s10;
	[sflag:s17] =	ssyncadd.s32 $0xFFFF8000  }
0x3d: {  	[hbm4b:s28+s18] =	stream.strided.scatter [tilespmem:s15], [sflag:$0x2], $0x8000, s19, s18, $0x38;
	[tilespmem:$0x12800] =	vst v63  }
0x3e: {  	_ =	swait.ge [sflag:s20], $0x8000  }
0x3f: {  	[sflag:s20] =	ssyncset.done $0x0  }
.Ltmp0:
0x40: {  	[sflag:s20] =	ssyncadd.s32 $0xFFFF8000;
	(pc) =	sbr.rel @p0 .LBB2_2-.Ltmp0, $4  }
0x41: {  	[tilespmem:s15], [sflag:$0x1] =	stream.indirect.gather [hbm4b:s3+s12], $0x40, s25, s12, $0xb8;
	[tilespmem:$0x12800] =	vst v63  }
0x42: {  	_ =	swait.ge [sflag:s17], $0x8000  }
0x43: {  	[sflag:s17] =	ssyncset.done $0x0  }
0x44: {  	s26 =	sadd.s32 s26, s11;
	s25 =	sadd.s32 $0x400, s25;
	[sflag:s17] =	ssyncadd.s32 $0xFFFF8000  }
0x45: {  	[hbm4b:s26+s18] =	stream.strided.scatter [tilespmem:s16], [sflag:$0x2], $0x8000, s19, s18, $0x38;
	[tilespmem:$0x12800] =	vst v63  }
0x46: {  	_ =	swait.ge [sflag:s20], $0x8000  }
0x47: {  	[sflag:s20] =	ssyncset.done $0x0  }
0x48: {  	[sflag:s20] =	ssyncadd.s32 $0xFFFF8000  }
0x49: {  	[tilespmem:s16], [sflag:$0x1] =	stream.indirect.gather [hbm4b:s3+s12], $0x40, s22, s12, $0xb8;
	[tilespmem:$0x12800] =	vst v63  }
0x4a: {  	_ =	swait.ge [sflag:s17], $0x8000  }
0x4b: {  	[sflag:s17] =	ssyncset.done $0x0  }
0x4c: {  	[sflag:s17] =	ssyncadd.s32 $0xFFFF8000  }
0x4d: {  	[hbm4b:s7+s18] =	stream.strided.scatter [tilespmem:s15], [sflag:$0x2], $0x8000, s19, s18, $0x38;
	[tilespmem:$0x12800] =	vst v63  }
0x4e: {  	_ =	swait.ge [sflag:s20], $0x8000  }
0x4f: {  	[sflag:s20] =	ssyncset.done $0x0  }
0x50: {  	[sflag:s20] =	ssyncadd.s32 $0xFFFF8000  }
0x51: {  	s23 =	sadd.s32 $0x1, s23;
	_ =	swait.ge [sflag:s17], $0x8000  }
0x52: {  	p0 =	sne.s32 s23, s9;
	[sflag:s17] =	ssyncset.done $0x0  }
.Ltmp1:
0x53: {  	[sflag:s17] =	ssyncadd.s32 $0xFFFF8000;
	(pc) =	sbr.rel @p0 .LBB2_1-.Ltmp1, $4  }
0x54: {  	[hbm4b:s8+s18] =	stream.strided.scatter [tilespmem:s16], [sflag:$0x2], $0x8000, s19, s18, $0x38;
	[tilespmem:$0x12800] =	vst v63  }
0x55: {  	_ =	swait.ge [sflag:s20], $0x8000  }
0x56: {  	[sflag:s20] =	ssyncset.done $0x0  }
0x57: {  	[sflag:s20] =	ssyncadd.s32 $0xFFFF8000  }
0x58: {  	_ =	sfence.sel $0x180000  }
0x59: {  	[bflag:$0x0] =	sbarrier.arrive $0xFFFF  }
0x5a: {  	p0 =	sne.s32 s1, $0x0;
	_ =	strace $0x9000004D  }
0x5b: {  	s0 =	sadd.s32 @!p0 $0x100000, s0;
	[bflag:$0x2] =	sbarrier.arrive $0xFFFF  }
0x5c: {  	[sflag:s0] =	ssyncadd.tile.s32 @!p0 $0x1;
	_ =	shalt  }
.Lfunc_end2:
_tile_overlayer_lowered:
.L_overlay_start_2:
0x5d: {  	(tag) =	ssettag $0x2  }
0x5e: {  	s0 =	rddreg [dreg:$0x0];
	s2 =	stileid.u32  }
0x5f: {  	s1 =	rddreg [dreg:$0x1];
	p0 =	sne.s32 s2, $0x0  }
0x60: {  	s3 =	rddreg [dreg:$0x2];
	[bflag:$0x3] =	sbarrier.arrive $0xFFFF;
	s2 =	simm.s32 @!p0 $0x1C03  }
0x61: {  	[timem:s3], [sflag:s2] =	dma.local @!p0 [hbm:s0], s1  }
0x62: {  	s0 =	simm.s32 @!p0 $0x3  }
0x63: {  	_ =	swait.ge @!p0 [sflag:s0], s1  }
0x64: {  	s1 =	ssub.s32 @!p0 $0x0, s1;
	[sflag:s0] =	ssyncset.done @!p0 $0x0  }
0x65: {  	[sflag:s0] =	ssyncadd.s32 @!p0 s1  }
0x66: {  	[bflag:$0x3] =	sbarrier.arrive $0xFFFF  }
0x67: {  	_ =	shalt  }

// kernel: sparse-core-data-format-call.1.cloned.1.call-start
scs
called_computation.1_lowered:
.L_overlay_start_0:
0x0: {  	s2 =	sld [smem:$0x3FD9]  }
0x1: {  	s3 =	sld [smem:$0x3FFE];
	_ =	sdelay $0x1  }
0x2: {  	s1 =	srdreg.scid  }
0x3: {  	s0 =	sand.u32 $0x1, s1  }
0x4: {  	s16 =	sshll.u32 s0, $0xA;
	s2 =	sadd.s32 s3, s2  }
0x5: {  	s2 =	sadd.s32 s2, s16  }
0x6: {  	[smem:$0x3FC2] =	sst s2  }
0x7: {  	_ = 	snop  }
0x8: {  	s2 =	sld [smem:$0x3FD0];
	_ =	sdelay $0x2  }
0x9: {  	s17 =	simm.s32 $0xC;
	s4 =	simm.s32 $0x10  }
0xa: {  	[smem:s4], [sflag:s17] =	dma.local [hbm:s2], $0x1  }
0xb: {  	_ =	swait.eq [sflag:s17], $0x1  }
0xc: {  	[sflag:s17] =	ssyncset.done $0x0  }
0xd: {  	[sflag:s17] =	ssyncadd.s32 $0xFFFFFFFF  }
0xe: {  	s18 =	sld [smem:$0x11];
	(tm) =	ssettm $0x1  }
0xf: {  	s19 =	sld [smem:$0x3FFB];
	_ =	sdelay $0x3  }
0x10: {  	_ =	strace s19  }
0x11: {  	s2 =	sld [smem:$0x3FFC];
	_ =	sdelay $0x3  }
0x12: {  	_ =	strace s2  }
0x13: {  	s2 =	sld [smem:$0x3FFD];
	_ =	sdelay $0x3  }
0x14: {  	_ =	strace s2  }
0x15: {  	_ =	strace $0x8FFFFFFF  }
0x16: {  	s20 =	sld [smem:$0x3FDB];
	_ =	sdelay $0x1  }
0x17: {  	s21 =	simm.s32 $_scs_section_size  }
0x18: {  	s5 =	simm.s32 $_size__tile_overlayer_lowered;
	s6 =	simm.s32 $_tile_overlayer_lowered  }
0x19: {  	s7 =	simm.s32 $0x1BFF;
	s22 =	sshll.u32 s6, $0x1;
	s4 =	sadd.s32 s21, s20  }
0x1a: {  	s23 =	simm.s32 $0x0;
	s5 =	sshll.u32 s5, $0x1;
	s6 =	sadd.s32 s22, s4  }
0x1b: {  	[timem:s23], [sflag:s7] =	dma.local [hbm:s6], s5  }
0x1c: {  	_ =	swait.ge [sflag:s7], s5  }
0x1d: {  	s5 =	ssub.s32 $0x0, s5;
	[sflag:s7] =	ssyncset.done $0x0  }
0x1e: {  	[sflag:s7] =	ssyncadd.s32 s5;
	_ =	sdelay $0x1  }
0x1f: {  	s24 =	simm.s32 $0x1B8B  }
0x20: {  	_ =	swait.ge [sflag:s24], $0x1  }
0x21: {  	[sflag:s24] =	ssyncset.done $0x0  }
0x22: {  	[sflag:s24] =	ssyncadd.s32 $0xFFFFFFFF  }
0x23: {  	s5 =	sld [smem:$0x0]  }
0x24: {  	s6 =	sand.u32 $0xFFFFFFFE, s1  }
0x25: {  	p0 =	sne.s32 s1, s6  }
0x26: {  	s6 =	sshll.u32 @p0 s6, $0xE  }
0x27: {  	s6 =	sadd.s32 @p0 $0x11B8D, s6;
	s7 =	sshll.u32 @p0 s5, $0x11  }
0x28: {  	s6 =	sor.u32 @p0 s7, s6  }
0x29: {  	[sflag:s6] =	ssyncadd.remote.s32 @p0 $0x1;
	_ =	sdelay $0x1  }
0x2a: {  	s6 =	simm.s32 @p0 $0x1B8D  }
0x2b: {  	_ =	swait.eq @p0 [sflag:s6], $0x1  }
0x2c: {  	[sflag:s6] =	ssyncadd.s32 @p0 $0xFFFFFFFF  }
0x2d: {  	s7 =	sshll.u32 @!p0 s1, $0xE  }
0x2e: {  	s7 =	sor.u32 @!p0 $0x4000, s7;
	s6 =	simm.s32 @!p0 $0x1B8D  }
0x2f: {  	s5 =	sshll.u32 @!p0 s5, $0x11;
	s7 =	sadd.s32 @!p0 $0x11B8D, s7;
	_ =	swait.eq @!p0 [sflag:s6], $0x1  }
0x30: {  	s5 =	sor.u32 @!p0 s5, s7;
	[sflag:s6] =	ssyncadd.s32 @!p0 $0xFFFFFFFF  }
0x31: {  	s26 =	simm.s32 $0x1B8E;
	s25 =	sld [smem:$0x3FFE];
	[sflag:s5] =	ssyncadd.remote.s32 @!p0 $0x1  }
0x32: {  	s27 =	simm.s32 $execute0_lowered;
	[smem:$0x3FD2] =	sst s26  }
0x33: {  	s6 =	sshll.u32 s27, $0x1;
	_ =	strace $0x80000052;
	[dreg:$0x1] =	wrdreg $0xFFFFFFFF  }
0x34: {  	s28 =	simm.s32 $_size_execute0_lowered;
	s4 =	sadd.s32 s4, s6;
	[dreg:$0x0] =	wrdreg $0x0  }
0x35: {  	s6 =	sshll.u32 s28, $0x1;
	[dreg:$0x2] =	wrdreg s4  }
0x36: {  	[dreg:$0x3] =	wrdreg s6  }
0x37: {  	[dreg:$0x4] =	wrdreg $0xC0  }
0x38: {  	_ =	task [dreg:s23], $0x5FFFF  }
0x39: {  	[dreg:$0x1] =	wrdreg $0xFFFFFFFF  }
0x3a: {  	[dreg:$0x0] =	wrdreg $0x60  }
0x3b: {  	[dreg:$0x2] =	wrdreg s25  }
0x3c: {  	[dreg:$0x3] =	wrdreg s18  }
0x3d: {  	[dreg:$0x4] =	wrdreg $0xB  }
0x3e: {  	_ =	task.clear_ibuf [dreg:s23], $0x5FFFF;
	_ =	strace $0x90000052  }
0x3f: {  	s29 =	simm.s32 $0xB;
	_ =	strace $0x80000054  }
0x40: {  	_ =	swait.ge [sflag:s29], $0x1  }
0x41: {  	[sflag:s29] =	ssyncadd.s32 $0xFFFFFFFF  }
0x42: {  	_ =	strace $0x90000054  }
0x43: {  	_ =	sfence  }
0x44: {  	s30 =	sld [smem:$0x0];
	_ =	sdelay $0x2  }
0x45: {  	s31 =	sshll.u32 s1, $0xD;
	s1 =	sshrl.u32 s1, $0x2  }
0x46: {  	s4 =	sand.u32 $0x4000, s31;
	s1 =	sadd.s32 s1, s30  }
0x47: {  	s0 =	sor.u32 s4, s0;
	s1 =	sshll.u32 s1, $0x11  }
0x48: {  	s0 =	sor.u32 s1, s0  }
0x49: {  	s0 =	sadd.s32 $0x8F2B, s0  }
0x4a: {  	[sflag:s0] =	ssyncadd.remote.s32 $0x1  }
0x4b: {  	_ =	sfence.sel $0xFFFF  }
0x4c: {  	[dreg:$0x0] =	wrdreg $0xFFFFFFFF;
	(pc) =	sbr.abs _section_cstart, $3  }
0x4d: {  	[dreg:$0x1] =	wrdreg $0xFFFFFFFF  }
0x4e: {  	_ =	task.clear_ibuf [dreg:s23], $0x2FFFF;
	_ =	strace $0x9FFFFFFF  }
0x4f: {  	(tm) =	ssettm $0x7FFFFFFF  }
tec
execute0_lowered:
.L_overlay_start_1:
0x0: {  	(tag) =	ssettag $0x1  }
0x1: {  	s0 =	srdreg.scid  }
0x2: {  	s1 =	sshll.u32 s0, $0x4  }
0x3: {  	s0 =	stileid.u32;
	s1 =	sand.u32 $0x10, s1  }
0x4: {  	s1 =	sor.u32 s0, s1  }
0x5: {  	s6 =	rddreg [dreg:$0x0];
	s4 =	simm.s32 $0x1;
	s2 =	sshll.u32 s1, $0x7  }
0x6: {  	s7 =	simm.s32 $0x2;
	s12 =	simm.s32 $0x0;
	s1 =	ssub.s32 $0x4000, s2  }
0x7: {  	s8 =	simm.s32 $0x20000;
	s13 =	simm.s32 $0x0;
	s3 =	sand.u32 $0xF80, s1  }
0x8: {  	s9 =	simm.s32 $0x0;
	s5 =	sshrl.u32 s1, $0xC;
	p0 =	sne.s32 s3, $0x0  }
.Ltmp0:
0x9: {  	s1 =	rddreg [dreg:$0x2];
	s4 =	simm.s32 @!p0 $0x0;
	(pc) =	sbr.rel .LBB1_1-.Ltmp0, $4  }
0xa: {  	s11 =	simm.s32 $0x0;
	s3 =	rddreg [dreg:$0x1];
	s5 =	sadd.s32 s4, s5  }
0xb: {  	_ =	strace $0x80000053;
	s4 =	simm.s32 $0x1;
	s5 =	smul.u32 $0x14, s5  }
0xc: {  	s6 =	sadd.s32 $0x6E5800, s6;
	s10 =	smov.u32 s2;
	[sflag:s4] =	ssyncpa.u1 $0x0  }
0xd: {  	p0 =	por $0x0, $0x0;
	[sflag:s7] =	ssyncpa.u1 $0x0;
	s7 =	sor.u32 $0x1, s5  }
.LBB1_4:
0xe: {  	s16 =	sshll.u32 s13, $0x3;
	s17 =	sand.u32 $0x78, s13  }
0xf: {  	s30 =	sand.u32 $0x1F800, s13;
	s12 =	sshll.u32 s12, $0x11;
	s16 =	sand.u32 $0x3C00, s16  }
0x10: {  	[tilespmem:s15+$0x810 ss:$0x81] =	vst.msk $0xffff, v2;
	s31 =	sand.u32 $0x7, s13;
	s16 =	sor.u32 s17, s16;
	s17 =	sadd.s32 s3, s30  }
0x11: {  	[tilespmem:s15+$0x1020 ss:$0x81] =	vst.msk $0xffff, v0;
	s13 =	sshll.u32 s31, $0x12;
	s12 =	sadd.s32 s12, s17;
	s16 =	sshrl.u32 s16, $0x3  }
0x12: {  	[tilespmem:s15+$0x0 ss:$0x81] =	vst.msk $0xffff, v1;
	s13 =	sor.u32 $0x400, s13;
	s12 =	sadd.s32 s16, s12  }
0x13: {  	[hbm4b:s12+s13] =	stream.strided.scatter [tilespmem:s14], [sflag:$0x2], $0x2000, s8, s13, $0x20;
	[tilespmem:$0x8080] =	vst v63  }
.LBB1_5:
0x14: {  	s14 =	sadd.s32 $0x1, s9  }
0x15: {  	s12 =	sadd.s32 $0x1000, s10;
	s16 =	smov.u32 s10;
	p2 =	sgt.s32 s14, $0x13  }
0x16: {  	s16 =	smov.u32 @p2 s12  }
0x17: {  	s14 =	simm.s32 @p2 $0x0;
	p2 =	sgt.s32 s16, $0x3FFF  }
0x18: {  	s16 =	smov.u32 @p2 s2;
	p2 =	sne.s32 s11, s7  }
.Ltmp1:
0x19: {  	p1 =	slt.u32 s11, $0x2;
	(pc) =	sbr.rel @!p2 .LBB1_6-.Ltmp1, $4  }
0x1a: {  	s15 =	simm.s32 @!p1 $0x2  }
0x1b: {  	s13 =	smov.u32 s10;
	p0 =	por !p0, !p0;
	_ =	swait.ge @!p1 [sflag:s15], $0x2000  }
0x1c: {  	s12 =	smov.u32 s9;
	[sflag:s15] =	ssyncset.done @!p1 $0x0;
	s9 =	smov.u32 s14  }
0x1d: {  	s11 =	sadd.s32 $0x1, s11;
	[sflag:s15] =	ssyncadd.s32 @!p1 $0xFFFFE000;
	s10 =	smov.u32 s16  }
.LBB1_1:
0x1e: {  	p1 =	sge.u32 s11, s5  }
0x1f: {  	s14 =	sand.u32 @!p1 $0x1FFFFFF, s9  }
0x20: {  	s15 =	smulhi.u32 @!p1 $0xAAAAAAB, s14;
	_ =	sdelay $0x1  }
0x21: {  	s15 =	smul.u32 @!p1 $0x18, s15  }
0x22: {  	s16 =	sxor.u32 @!p1 $0xFFFFFFFF, s11;
	s17 =	smul.u32 @!p1 $0x180, s10  }
0x23: {  	s31 =	sadd.s32 $0xFFFFFFFF, s11;
	s16 =	sshll.u32 @!p1 s16, $0xD;
	s14 =	ssub.s32 @!p1 s14, s15  }
0x24: {  	s15 =	sand.u32 @!p1 $0x2000, s16;
	s16 =	sadd.s32 @!p1 s6, s17;
	s14 =	sshll.u32 @!p1 s14, $0x4  }
0x25: {  	s17 =	simm.s32 @!p1 $0xC00;
	s14 =	sadd.s32 @!p1 s14, s16;
	s16 =	simm.s32 @!p1 $0x40  }
0x26: {  	[tilespmem:s15], [sflag:$0x1] =	stream.strided.gather @!p1 [hbm4b:s14+s16], $0x2000, s17, s16, $0x38;
	[tilespmem:$0x8080] =	vst v63  }
0x27: {  	p1 =	sge.u32 s31, s5  }
.Ltmp2:
0x28: {  	_ = 	snop;
	(pc) =	sbr.rel @p1 .LBB1_5-.Ltmp2, $1  }
0x29: {  	_ =	sdelay $0x3  }
0x2a: {  	s14 =	simm.s32 $0x1  }
0x2b: {  	_ =	swait.ge [sflag:s4], $0x2000;
	s14 =	simm.s32 @!p0 $0x0  }
0x2c: {  	[sflag:s4] =	ssyncset.done $0x0;
	s15 =	sshll.u32 s14, $0xD  }
0x2d: {  	[sflag:s4] =	ssyncadd.s32 $0xFFFFE000;
	s18 =	sor.u32 $0x20, s15  }
0x2e: {  	s14 =	smul.u32 $0x8100, s14;
	v3 =	vld [tilespmem:s18+$0x10]  }
0x2f: {  	s30 =	sand.u32 $0x1, s11;
	v2 =	vld [tilespmem:s18+$0xFFFFFFF0]  }
0x30: {  	s15 =	smul.u32 $0x8100, s30;
	s14 =	sshrl.u32 s14, $0x2;
	v0 =	vld [tilespmem:s18+$0x0]  }
0x31: {  	v1 =	vld [tilespmem:s18+$0xFFFFFFE0];
	s16 =	sor.u32 $0x4000, s14  }
0x32: {  	s31 =	sshrl.u32 s15, $0x2;
	s15 =	sadd.s32 $0x0, s16  }
0x33: {  	s17 =	simm.s32 $0x4;
	s18 =	sadd.s32 $0x40, s18;
	s14 =	sor.u32 $0x4000, s31;
	[tilespmem:s15+$0x1830 ss:$0x81] =	vst.msk $0xffff, v3  }
.LBB1_3:
0x34: {  	v3 =	vld [tilespmem:s18+$0x10];
	p1 =	sne.s32 s17, $0x1FC;
	[tilespmem:s15+$0x810 ss:$0x81] =	vst.msk $0xffff, v2;
	s19 =	smov.u32 s17;
	s17 =	sadd.s32 $0x4, s17  }
.Ltmp3:
0x35: {  	v2 =	vld [tilespmem:s18+$0xFFFFFFF0];
	[tilespmem:s15+$0x1020 ss:$0x81] =	vst.msk $0xffff, v0;
	(pc) =	sbr.rel @p1 .LBB1_3-.Ltmp3, $4  }
0x36: {  	v0 =	vld [tilespmem:s18+$0x0];
	[tilespmem:s15+$0x0 ss:$0x81] =	vst.msk $0xffff, v1  }
0x37: {  	s15 =	sshra.s32 s19, $0x2;
	v1 =	vld [tilespmem:s18+$0xFFFFFFE0]  }
0x38: {  	s15 =	sadd.s32 s15, s16  }
0x39: {  	s18 =	sadd.s32 $0x40, s18;
	[tilespmem:s15+$0x1830 ss:$0x81] =	vst.msk $0xffff, v3  }
.Ltmp4:
0x3a: {  	_ = 	snop;
	(pc) =	sbr.rel .LBB1_4-.Ltmp4, $1  }
0x3b: {  	_ =	sdelay $0x3  }
.LBB1_6:
0x3c: {  	_ =	sfence.sel $0x180000  }
0x3d: {  	s2 =	simm.s32 $0x1;
	[bflag:$0x0] =	sbarrier.arrive $0xFFFF  }
0x3e: {  	s31 =	simm.s32 $0x2;
	[sflag:s2] =	ssyncpa.u1 $0x1  }
0x3f: {  	[sflag:s31] =	ssyncpa.u1 $0x1  }
0x40: {  	p0 =	sne.s32 s0, $0x0;
	_ =	strace $0x90000053  }
0x41: {  	s0 =	sadd.s32 @!p0 $0x100000, s1;
	[bflag:$0x2] =	sbarrier.arrive $0xFFFF  }
0x42: {  	[sflag:s0] =	ssyncadd.tile.s32 @!p0 $0x1;
	_ =	shalt  }
.Lfunc_end1:
_tile_overlayer_lowered:
.L_overlay_start_2:
0x43: {  	(tag) =	ssettag $0x2  }
0x44: {  	s0 =	rddreg [dreg:$0x0];
	s2 =	stileid.u32  }
0x45: {  	s1 =	rddreg [dreg:$0x1];
	p0 =	sne.s32 s2, $0x0  }
0x46: {  	s3 =	rddreg [dreg:$0x2];
	[bflag:$0x3] =	sbarrier.arrive $0xFFFF;
	s2 =	simm.s32 @!p0 $0x1C01  }
0x47: {  	[timem:s3], [sflag:s2] =	dma.local @!p0 [hbm:s0], s1  }
0x48: {  	s0 =	simm.s32 @!p0 $0x1  }
0x49: {  	_ =	swait.ge @!p0 [sflag:s0], s1  }
0x4a: {  	s1 =	ssub.s32 @!p0 $0x0, s1;
	[sflag:s0] =	ssyncset.done @!p0 $0x0  }
0x4b: {  	[sflag:s0] =	ssyncadd.s32 @!p0 s1  }
0x4c: {  	[bflag:$0x3] =	sbarrier.arrive $0xFFFF  }
0x4d: {  	_ =	shalt  }

// kernel: sparse-core-data-format-call.2.cloned.1.call-start
scs
called_computation.2_lowered:
.L_overlay_start_0:
0x0: {  	s2 =	sld [smem:$0x3FD9]  }
0x1: {  	s3 =	sld [smem:$0x3FFE];
	_ =	sdelay $0x1  }
0x2: {  	s1 =	srdreg.scid  }
0x3: {  	s0 =	sand.u32 $0x1, s1  }
0x4: {  	s16 =	sshll.u32 s0, $0xA;
	s2 =	sadd.s32 s3, s2  }
0x5: {  	s2 =	sadd.s32 s2, s16  }
0x6: {  	[smem:$0x3FC2] =	sst s2  }
0x7: {  	_ = 	snop  }
0x8: {  	s2 =	sld [smem:$0x3FD0];
	_ =	sdelay $0x2  }
0x9: {  	s17 =	simm.s32 $0xC;
	s4 =	simm.s32 $0x10  }
0xa: {  	[smem:s4], [sflag:s17] =	dma.local [hbm:s2], $0x1  }
0xb: {  	_ =	swait.eq [sflag:s17], $0x1  }
0xc: {  	[sflag:s17] =	ssyncset.done $0x0  }
0xd: {  	[sflag:s17] =	ssyncadd.s32 $0xFFFFFFFF  }
0xe: {  	s18 =	sld [smem:$0x10];
	(tm) =	ssettm $0x1  }
0xf: {  	s19 =	sld [smem:$0x3FFB];
	_ =	sdelay $0x3  }
0x10: {  	_ =	strace s19  }
0x11: {  	s2 =	sld [smem:$0x3FFC];
	_ =	sdelay $0x3  }
0x12: {  	_ =	strace s2  }
0x13: {  	s2 =	sld [smem:$0x3FFD];
	_ =	sdelay $0x3  }
0x14: {  	_ =	strace s2  }
0x15: {  	_ =	strace $0x8FFFFFFF  }
0x16: {  	s20 =	sld [smem:$0x3FDB];
	_ =	sdelay $0x1  }
0x17: {  	s21 =	simm.s32 $_scs_section_size  }
0x18: {  	s5 =	simm.s32 $_size__tile_overlayer_lowered;
	s6 =	simm.s32 $_tile_overlayer_lowered  }
0x19: {  	s7 =	simm.s32 $0x1BFF;
	s22 =	sshll.u32 s6, $0x1;
	s4 =	sadd.s32 s21, s20  }
0x1a: {  	s23 =	simm.s32 $0x0;
	s5 =	sshll.u32 s5, $0x1;
	s6 =	sadd.s32 s22, s4  }
0x1b: {  	[timem:s23], [sflag:s7] =	dma.local [hbm:s6], s5  }
0x1c: {  	_ =	swait.ge [sflag:s7], s5  }
0x1d: {  	s5 =	ssub.s32 $0x0, s5;
	[sflag:s7] =	ssyncset.done $0x0  }
0x1e: {  	[sflag:s7] =	ssyncadd.s32 s5;
	_ =	sdelay $0x1  }
0x1f: {  	s24 =	simm.s32 $0x1B8B  }
0x20: {  	_ =	swait.ge [sflag:s24], $0x1  }
0x21: {  	[sflag:s24] =	ssyncset.done $0x0  }
0x22: {  	[sflag:s24] =	ssyncadd.s32 $0xFFFFFFFF  }
0x23: {  	s5 =	sld [smem:$0x0]  }
0x24: {  	s6 =	sand.u32 $0xFFFFFFFE, s1  }
0x25: {  	p0 =	sne.s32 s1, s6  }
0x26: {  	s6 =	sshll.u32 @p0 s6, $0xE  }
0x27: {  	s6 =	sadd.s32 @p0 $0x11B8D, s6;
	s7 =	sshll.u32 @p0 s5, $0x11  }
0x28: {  	s6 =	sor.u32 @p0 s7, s6  }
0x29: {  	[sflag:s6] =	ssyncadd.remote.s32 @p0 $0x1;
	_ =	sdelay $0x1  }
0x2a: {  	s6 =	simm.s32 @p0 $0x1B8D  }
0x2b: {  	_ =	swait.eq @p0 [sflag:s6], $0x1  }
0x2c: {  	[sflag:s6] =	ssyncadd.s32 @p0 $0xFFFFFFFF  }
0x2d: {  	s7 =	sshll.u32 @!p0 s1, $0xE  }
0x2e: {  	s7 =	sor.u32 @!p0 $0x4000, s7;
	s6 =	simm.s32 @!p0 $0x1B8D  }
0x2f: {  	s5 =	sshll.u32 @!p0 s5, $0x11;
	s7 =	sadd.s32 @!p0 $0x11B8D, s7;
	_ =	swait.eq @!p0 [sflag:s6], $0x1  }
0x30: {  	s5 =	sor.u32 @!p0 s5, s7;
	[sflag:s6] =	ssyncadd.s32 @!p0 $0xFFFFFFFF  }
0x31: {  	s26 =	simm.s32 $0x1B8E;
	s25 =	sld [smem:$0x3FFE];
	[sflag:s5] =	ssyncadd.remote.s32 @!p0 $0x1  }
0x32: {  	s27 =	simm.s32 $execute0_lowered;
	[smem:$0x3FD2] =	sst s26  }
0x33: {  	s6 =	sshll.u32 s27, $0x1;
	_ =	strace $0x8000004F;
	[dreg:$0x1] =	wrdreg $0xFFFFFFFF  }
0x34: {  	s28 =	simm.s32 $_size_execute0_lowered;
	s4 =	sadd.s32 s4, s6;
	[dreg:$0x0] =	wrdreg $0x0  }
0x35: {  	s6 =	sshll.u32 s28, $0x1;
	[dreg:$0x2] =	wrdreg s4  }
0x36: {  	[dreg:$0x3] =	wrdreg s6  }
0x37: {  	[dreg:$0x4] =	wrdreg $0xC0  }
0x38: {  	_ =	task [dreg:s23], $0x5FFFF  }
0x39: {  	[dreg:$0x1] =	wrdreg $0xFFFFFFFF  }
0x3a: {  	[dreg:$0x0] =	wrdreg $0x60  }
0x3b: {  	[dreg:$0x2] =	wrdreg s25  }
0x3c: {  	[dreg:$0x3] =	wrdreg s18  }
0x3d: {  	[dreg:$0x4] =	wrdreg $0x9  }
0x3e: {  	_ =	task.clear_ibuf [dreg:s23], $0x5FFFF;
	_ =	strace $0x9000004F  }
0x3f: {  	s29 =	simm.s32 $0x9;
	_ =	strace $0x80000051  }
0x40: {  	_ =	swait.ge [sflag:s29], $0x1  }
0x41: {  	[sflag:s29] =	ssyncadd.s32 $0xFFFFFFFF  }
0x42: {  	_ =	strace $0x90000051  }
0x43: {  	_ =	sfence  }
0x44: {  	s30 =	sld [smem:$0x0];
	_ =	sdelay $0x2  }
0x45: {  	s31 =	sshll.u32 s1, $0xD;
	s1 =	sshrl.u32 s1, $0x2  }
0x46: {  	s4 =	sand.u32 $0x4000, s31;
	s1 =	sadd.s32 s1, s30  }
0x47: {  	s0 =	sor.u32 s4, s0;
	s1 =	sshll.u32 s1, $0x11  }
0x48: {  	s0 =	sor.u32 s1, s0  }
0x49: {  	s0 =	sadd.s32 $0x8F2B, s0  }
0x4a: {  	[sflag:s0] =	ssyncadd.remote.s32 $0x1  }
0x4b: {  	_ =	sfence.sel $0xFFFF  }
0x4c: {  	[dreg:$0x0] =	wrdreg $0xFFFFFFFF;
	(pc) =	sbr.abs _section_cstart, $3  }
0x4d: {  	[dreg:$0x1] =	wrdreg $0xFFFFFFFF  }
0x4e: {  	_ =	task.clear_ibuf [dreg:s23], $0x2FFFF;
	_ =	strace $0x9FFFFFFF  }
0x4f: {  	(tm) =	ssettm $0x7FFFFFFF  }
tec
execute0_lowered:
.L_overlay_start_1:
0x0: {  	(tag) =	ssettag $0x1  }
0x1: {  	s0 =	srdreg.scid  }
0x2: {  	s1 =	sshll.u32 s0, $0x4  }
0x3: {  	s0 =	stileid.u32;
	s1 =	sand.u32 $0x10, s1  }
0x4: {  	s1 =	sor.u32 s0, s1  }
0x5: {  	s6 =	rddreg [dreg:$0x0];
	s4 =	simm.s32 $0x1;
	s2 =	sshll.u32 s1, $0x7  }
0x6: {  	s7 =	simm.s32 $0x2;
	s12 =	simm.s32 $0x0;
	s1 =	ssub.s32 $0x4000, s2  }
0x7: {  	s8 =	simm.s32 $0x20000;
	s13 =	simm.s32 $0x0;
	s3 =	sand.u32 $0xF80, s1  }
0x8: {  	s9 =	simm.s32 $0x0;
	s5 =	sshrl.u32 s1, $0xC;
	p0 =	sne.s32 s3, $0x0  }
.Ltmp0:
0x9: {  	s1 =	rddreg [dreg:$0x2];
	s4 =	simm.s32 @!p0 $0x0;
	(pc) =	sbr.rel .LBB1_1-.Ltmp0, $4  }
0xa: {  	s11 =	simm.s32 $0x0;
	s3 =	rddreg [dreg:$0x1];
	s5 =	sadd.s32 s4, s5  }
0xb: {  	_ =	strace $0x80000050;
	s4 =	simm.s32 $0x1;
	s5 =	smul.u32 $0x14, s5  }
0xc: {  	s6 =	sadd.s32 $0xE5800, s6;
	s10 =	smov.u32 s2;
	[sflag:s4] =	ssyncpa.u1 $0x0  }
0xd: {  	p0 =	por $0x0, $0x0;
	[sflag:s7] =	ssyncpa.u1 $0x0;
	s7 =	sor.u32 $0x1, s5  }
.LBB1_4:
0xe: {  	s16 =	sshll.u32 s13, $0x3;
	s17 =	sand.u32 $0x78, s13  }
0xf: {  	s30 =	sand.u32 $0x1F800, s13;
	s12 =	sshll.u32 s12, $0x11;
	s16 =	sand.u32 $0x3C00, s16  }
0x10: {  	[tilespmem:s15+$0x810 ss:$0x81] =	vst.msk $0xffff, v2;
	s31 =	sand.u32 $0x7, s13;
	s16 =	sor.u32 s17, s16;
	s17 =	sadd.s32 s3, s30  }
0x11: {  	[tilespmem:s15+$0x1020 ss:$0x81] =	vst.msk $0xffff, v0;
	s13 =	sshll.u32 s31, $0x12;
	s12 =	sadd.s32 s12, s17;
	s16 =	sshrl.u32 s16, $0x3  }
0x12: {  	[tilespmem:s15+$0x0 ss:$0x81] =	vst.msk $0xffff, v1;
	s13 =	sor.u32 $0x400, s13;
	s12 =	sadd.s32 s16, s12  }
0x13: {  	[hbm4b:s12+s13] =	stream.strided.scatter [tilespmem:s14], [sflag:$0x2], $0x2000, s8, s13, $0x20;
	[tilespmem:$0x8080] =	vst v63  }
.LBB1_5:
0x14: {  	s14 =	sadd.s32 $0x1, s9  }
0x15: {  	s12 =	sadd.s32 $0x1000, s10;
	s16 =	smov.u32 s10;
	p2 =	sgt.s32 s14, $0x13  }
0x16: {  	s16 =	smov.u32 @p2 s12  }
0x17: {  	s14 =	simm.s32 @p2 $0x0;
	p2 =	sgt.s32 s16, $0x3FFF  }
0x18: {  	s16 =	smov.u32 @p2 s2;
	p2 =	sne.s32 s11, s7  }
.Ltmp1:
0x19: {  	p1 =	slt.u32 s11, $0x2;
	(pc) =	sbr.rel @!p2 .LBB1_6-.Ltmp1, $4  }
0x1a: {  	s15 =	simm.s32 @!p1 $0x2  }
0x1b: {  	s13 =	smov.u32 s10;
	p0 =	por !p0, !p0;
	_ =	swait.ge @!p1 [sflag:s15], $0x2000  }
0x1c: {  	s12 =	smov.u32 s9;
	[sflag:s15] =	ssyncset.done @!p1 $0x0;
	s9 =	smov.u32 s14  }
0x1d: {  	s11 =	sadd.s32 $0x1, s11;
	[sflag:s15] =	ssyncadd.s32 @!p1 $0xFFFFE000;
	s10 =	smov.u32 s16  }
.LBB1_1:
0x1e: {  	p1 =	sge.u32 s11, s5  }
0x1f: {  	s14 =	sand.u32 @!p1 $0x1FFFFFF, s9  }
0x20: {  	s15 =	smulhi.u32 @!p1 $0xAAAAAAB, s14;
	_ =	sdelay $0x1  }
0x21: {  	s15 =	smul.u32 @!p1 $0x18, s15  }
0x22: {  	s16 =	sxor.u32 @!p1 $0xFFFFFFFF, s11;
	s17 =	smul.u32 @!p1 $0x180, s10  }
0x23: {  	s31 =	sadd.s32 $0xFFFFFFFF, s11;
	s16 =	sshll.u32 @!p1 s16, $0xD;
	s14 =	ssub.s32 @!p1 s14, s15  }
0x24: {  	s15 =	sand.u32 @!p1 $0x2000, s16;
	s16 =	sadd.s32 @!p1 s6, s17;
	s14 =	sshll.u32 @!p1 s14, $0x4  }
0x25: {  	s17 =	simm.s32 @!p1 $0xC00;
	s14 =	sadd.s32 @!p1 s14, s16;
	s16 =	simm.s32 @!p1 $0x40  }
0x26: {  	[tilespmem:s15], [sflag:$0x1] =	stream.strided.gather @!p1 [hbm4b:s14+s16], $0x2000, s17, s16, $0x38;
	[tilespmem:$0x8080] =	vst v63  }
0x27: {  	p1 =	sge.u32 s31, s5  }
.Ltmp2:
0x28: {  	_ = 	snop;
	(pc) =	sbr.rel @p1 .LBB1_5-.Ltmp2, $1  }
0x29: {  	_ =	sdelay $0x3  }
0x2a: {  	s14 =	simm.s32 $0x1  }
0x2b: {  	_ =	swait.ge [sflag:s4], $0x2000;
	s14 =	simm.s32 @!p0 $0x0  }
0x2c: {  	[sflag:s4] =	ssyncset.done $0x0;
	s15 =	sshll.u32 s14, $0xD  }
0x2d: {  	[sflag:s4] =	ssyncadd.s32 $0xFFFFE000;
	s18 =	sor.u32 $0x20, s15  }
0x2e: {  	s14 =	smul.u32 $0x8100, s14;
	v3 =	vld [tilespmem:s18+$0x10]  }
0x2f: {  	s30 =	sand.u32 $0x1, s11;
	v2 =	vld [tilespmem:s18+$0xFFFFFFF0]  }
0x30: {  	s15 =	smul.u32 $0x8100, s30;
	s14 =	sshrl.u32 s14, $0x2;
	v0 =	vld [tilespmem:s18+$0x0]  }
0x31: {  	v1 =	vld [tilespmem:s18+$0xFFFFFFE0];
	s16 =	sor.u32 $0x4000, s14  }
0x32: {  	s31 =	sshrl.u32 s15, $0x2;
	s15 =	sadd.s32 $0x0, s16  }
0x33: {  	s17 =	simm.s32 $0x4;
	s18 =	sadd.s32 $0x40, s18;
	s14 =	sor.u32 $0x4000, s31;
	[tilespmem:s15+$0x1830 ss:$0x81] =	vst.msk $0xffff, v3  }
.LBB1_3:
0x34: {  	v3 =	vld [tilespmem:s18+$0x10];
	p1 =	sne.s32 s17, $0x1FC;
	[tilespmem:s15+$0x810 ss:$0x81] =	vst.msk $0xffff, v2;
	s19 =	smov.u32 s17;
	s17 =	sadd.s32 $0x4, s17  }
.Ltmp3:
0x35: {  	v2 =	vld [tilespmem:s18+$0xFFFFFFF0];
	[tilespmem:s15+$0x1020 ss:$0x81] =	vst.msk $0xffff, v0;
	(pc) =	sbr.rel @p1 .LBB1_3-.Ltmp3, $4  }
0x36: {  	v0 =	vld [tilespmem:s18+$0x0];
	[tilespmem:s15+$0x0 ss:$0x81] =	vst.msk $0xffff, v1  }
0x37: {  	s15 =	sshra.s32 s19, $0x2;
	v1 =	vld [tilespmem:s18+$0xFFFFFFE0]  }
0x38: {  	s15 =	sadd.s32 s15, s16  }
0x39: {  	s18 =	sadd.s32 $0x40, s18;
	[tilespmem:s15+$0x1830 ss:$0x81] =	vst.msk $0xffff, v3  }
.Ltmp4:
0x3a: {  	_ = 	snop;
	(pc) =	sbr.rel .LBB1_4-.Ltmp4, $1  }
0x3b: {  	_ =	sdelay $0x3  }
.LBB1_6:
0x3c: {  	_ =	sfence.sel $0x180000  }
0x3d: {  	s2 =	simm.s32 $0x1;
	[bflag:$0x0] =	sbarrier.arrive $0xFFFF  }
0x3e: {  	s31 =	simm.s32 $0x2;
	[sflag:s2] =	ssyncpa.u1 $0x1  }
0x3f: {  	[sflag:s31] =	ssyncpa.u1 $0x1  }
0x40: {  	p0 =	sne.s32 s0, $0x0;
	_ =	strace $0x90000050  }
0x41: {  	s0 =	sadd.s32 @!p0 $0x100000, s1;
	[bflag:$0x2] =	sbarrier.arrive $0xFFFF  }
0x42: {  	[sflag:s0] =	ssyncadd.tile.s32 @!p0 $0x1;
	_ =	shalt  }
.Lfunc_end1:
_tile_overlayer_lowered:
.L_overlay_start_2:
0x43: {  	(tag) =	ssettag $0x2  }
0x44: {  	s0 =	rddreg [dreg:$0x0];
	s2 =	stileid.u32  }
0x45: {  	s1 =	rddreg [dreg:$0x1];
	p0 =	sne.s32 s2, $0x0  }
0x46: {  	s3 =	rddreg [dreg:$0x2];
	[bflag:$0x3] =	sbarrier.arrive $0xFFFF;
	s2 =	simm.s32 @!p0 $0x1C01  }
0x47: {  	[timem:s3], [sflag:s2] =	dma.local @!p0 [hbm:s0], s1  }
0x48: {  	s0 =	simm.s32 @!p0 $0x1  }
0x49: {  	_ =	swait.ge @!p0 [sflag:s0], s1  }
0x4a: {  	s1 =	ssub.s32 @!p0 $0x0, s1;
	[sflag:s0] =	ssyncset.done @!p0 $0x0  }
0x4b: {  	[sflag:s0] =	ssyncadd.s32 @!p0 s1  }
0x4c: {  	[bflag:$0x3] =	sbarrier.arrive $0xFFFF  }
0x4d: {  	_ =	shalt  }

// kernel: sparse-core-data-format-call.cloned.1.call-start
scs
called_computation_lowered:
.L_overlay_start_0:
0x0: {  	s2 =	sld [smem:$0x3FD9]  }
0x1: {  	s3 =	sld [smem:$0x3FFE];
	_ =	sdelay $0x1  }
0x2: {  	s1 =	srdreg.scid  }
0x3: {  	s0 =	sand.u32 $0x1, s1  }
0x4: {  	s16 =	sshll.u32 s0, $0xA;
	s2 =	sadd.s32 s3, s2  }
0x5: {  	s2 =	sadd.s32 s2, s16  }
0x6: {  	[smem:$0x3FC2] =	sst s2  }
0x7: {  	_ = 	snop  }
0x8: {  	s2 =	sld [smem:$0x3FD0];
	_ =	sdelay $0x2  }
0x9: {  	s17 =	simm.s32 $0xC;
	s4 =	simm.s32 $0x10  }
0xa: {  	[smem:s4], [sflag:s17] =	dma.local [hbm:s2], $0x1  }
0xb: {  	_ =	swait.eq [sflag:s17], $0x1  }
0xc: {  	[sflag:s17] =	ssyncset.done $0x0  }
0xd: {  	[sflag:s17] =	ssyncadd.s32 $0xFFFFFFFF  }
0xe: {  	s18 =	sld [smem:$0x12];
	(tm) =	ssettm $0x1  }
0xf: {  	s19 =	sld [smem:$0x3FFB];
	_ =	sdelay $0x3  }
0x10: {  	_ =	strace s19  }
0x11: {  	s2 =	sld [smem:$0x3FFC];
	_ =	sdelay $0x3  }
0x12: {  	_ =	strace s2  }
0x13: {  	s2 =	sld [smem:$0x3FFD];
	_ =	sdelay $0x3  }
0x14: {  	_ =	strace s2  }
0x15: {  	_ =	strace $0x8FFFFFFF  }
0x16: {  	s20 =	sld [smem:$0x3FDB];
	_ =	sdelay $0x1  }
0x17: {  	s21 =	simm.s32 $_scs_section_size  }
0x18: {  	s5 =	simm.s32 $_size__tile_overlayer_lowered;
	s6 =	simm.s32 $_tile_overlayer_lowered  }
0x19: {  	s7 =	simm.s32 $0x1BFF;
	s22 =	sshll.u32 s6, $0x1;
	s4 =	sadd.s32 s21, s20  }
0x1a: {  	s23 =	simm.s32 $0x0;
	s5 =	sshll.u32 s5, $0x1;
	s6 =	sadd.s32 s22, s4  }
0x1b: {  	[timem:s23], [sflag:s7] =	dma.local [hbm:s6], s5  }
0x1c: {  	_ =	swait.ge [sflag:s7], s5  }
0x1d: {  	s5 =	ssub.s32 $0x0, s5;
	[sflag:s7] =	ssyncset.done $0x0  }
0x1e: {  	[sflag:s7] =	ssyncadd.s32 s5;
	_ =	sdelay $0x1  }
0x1f: {  	s24 =	simm.s32 $0x1B8B  }
0x20: {  	_ =	swait.ge [sflag:s24], $0x1  }
0x21: {  	[sflag:s24] =	ssyncset.done $0x0  }
0x22: {  	[sflag:s24] =	ssyncadd.s32 $0xFFFFFFFF  }
0x23: {  	s5 =	sld [smem:$0x0]  }
0x24: {  	s6 =	sand.u32 $0xFFFFFFFE, s1  }
0x25: {  	p0 =	sne.s32 s1, s6  }
0x26: {  	s6 =	sshll.u32 @p0 s6, $0xE  }
0x27: {  	s6 =	sadd.s32 @p0 $0x11B8D, s6;
	s7 =	sshll.u32 @p0 s5, $0x11  }
0x28: {  	s6 =	sor.u32 @p0 s7, s6  }
0x29: {  	[sflag:s6] =	ssyncadd.remote.s32 @p0 $0x1;
	_ =	sdelay $0x1  }
0x2a: {  	s6 =	simm.s32 @p0 $0x1B8D  }
0x2b: {  	_ =	swait.eq @p0 [sflag:s6], $0x1  }
0x2c: {  	[sflag:s6] =	ssyncadd.s32 @p0 $0xFFFFFFFF  }
0x2d: {  	s7 =	sshll.u32 @!p0 s1, $0xE  }
0x2e: {  	s7 =	sor.u32 @!p0 $0x4000, s7;
	s6 =	simm.s32 @!p0 $0x1B8D  }
0x2f: {  	s5 =	sshll.u32 @!p0 s5, $0x11;
	s7 =	sadd.s32 @!p0 $0x11B8D, s7;
	_ =	swait.eq @!p0 [sflag:s6], $0x1  }
0x30: {  	s5 =	sor.u32 @!p0 s5, s7;
	[sflag:s6] =	ssyncadd.s32 @!p0 $0xFFFFFFFF  }
0x31: {  	s26 =	simm.s32 $0x1B8E;
	s25 =	sld [smem:$0x3FFE];
	[sflag:s5] =	ssyncadd.remote.s32 @!p0 $0x1  }
0x32: {  	s27 =	simm.s32 $execute0_lowered;
	[smem:$0x3FD2] =	sst s26  }
0x33: {  	s6 =	sshll.u32 s27, $0x1;
	_ =	strace $0x80000055;
	[dreg:$0x1] =	wrdreg $0xFFFFFFFF  }
0x34: {  	s28 =	simm.s32 $_size_execute0_lowered;
	s4 =	sadd.s32 s4, s6;
	[dreg:$0x0] =	wrdreg $0x0  }
0x35: {  	s6 =	sshll.u32 s28, $0x1;
	[dreg:$0x2] =	wrdreg s4  }
0x36: {  	[dreg:$0x3] =	wrdreg s6  }
0x37: {  	[dreg:$0x4] =	wrdreg $0xC0  }
0x38: {  	_ =	task [dreg:s23], $0x5FFFF  }
0x39: {  	[dreg:$0x1] =	wrdreg $0xFFFFFFFF  }
0x3a: {  	[dreg:$0x0] =	wrdreg $0x60  }
0x3b: {  	[dreg:$0x2] =	wrdreg s25  }
0x3c: {  	[dreg:$0x3] =	wrdreg s18  }
0x3d: {  	[dreg:$0x4] =	wrdreg $0xA  }
0x3e: {  	_ =	task.clear_ibuf [dreg:s23], $0x5FFFF;
	_ =	strace $0x90000055  }
0x3f: {  	s29 =	simm.s32 $0xA;
	_ =	strace $0x80000057  }
0x40: {  	_ =	swait.ge [sflag:s29], $0x1  }
0x41: {  	[sflag:s29] =	ssyncadd.s32 $0xFFFFFFFF  }
0x42: {  	_ =	strace $0x90000057  }
0x43: {  	_ =	sfence  }
0x44: {  	s30 =	sld [smem:$0x0];
	_ =	sdelay $0x2  }
0x45: {  	s31 =	sshll.u32 s1, $0xD;
	s1 =	sshrl.u32 s1, $0x2  }
0x46: {  	s4 =	sand.u32 $0x4000, s31;
	s1 =	sadd.s32 s1, s30  }
0x47: {  	s0 =	sor.u32 s4, s0;
	s1 =	sshll.u32 s1, $0x11  }
0x48: {  	s0 =	sor.u32 s1, s0  }
0x49: {  	s0 =	sadd.s32 $0x8F2B, s0  }
0x4a: {  	[sflag:s0] =	ssyncadd.remote.s32 $0x1  }
0x4b: {  	_ =	sfence.sel $0xFFFF  }
0x4c: {  	[dreg:$0x0] =	wrdreg $0xFFFFFFFF;
	(pc) =	sbr.abs _section_cstart, $3  }
0x4d: {  	[dreg:$0x1] =	wrdreg $0xFFFFFFFF  }
0x4e: {  	_ =	task.clear_ibuf [dreg:s23], $0x2FFFF;
	_ =	strace $0x9FFFFFFF  }
0x4f: {  	(tm) =	ssettm $0x7FFFFFFF  }
tec
execute0_lowered:
.L_overlay_start_1:
0x0: {  	(tag) =	ssettag $0x1  }
0x1: {  	s0 =	srdreg.scid  }
0x2: {  	s1 =	sshll.u32 s0, $0x4  }
0x3: {  	s0 =	stileid.u32;
	s1 =	sand.u32 $0x10, s1  }
0x4: {  	s1 =	sor.u32 s0, s1  }
0x5: {  	s6 =	rddreg [dreg:$0x0];
	s4 =	simm.s32 $0x1;
	s2 =	sshll.u32 s1, $0x7  }
0x6: {  	s7 =	simm.s32 $0x2;
	s12 =	simm.s32 $0x0;
	s1 =	ssub.s32 $0x4000, s2  }
0x7: {  	s8 =	simm.s32 $0x20000;
	s13 =	simm.s32 $0x0;
	s3 =	sand.u32 $0xF80, s1  }
0x8: {  	s9 =	simm.s32 $0x0;
	s5 =	sshrl.u32 s1, $0xC;
	p0 =	sne.s32 s3, $0x0  }
.Ltmp0:
0x9: {  	s1 =	rddreg [dreg:$0x2];
	s4 =	simm.s32 @!p0 $0x0;
	(pc) =	sbr.rel .LBB1_1-.Ltmp0, $4  }
0xa: {  	s11 =	simm.s32 $0x0;
	s3 =	rddreg [dreg:$0x1];
	s5 =	sadd.s32 s4, s5  }
0xb: {  	_ =	strace $0x80000056;
	s4 =	simm.s32 $0x1;
	s5 =	smul.u32 $0x14, s5  }
0xc: {  	s6 =	sadd.s32 $0xCE5800, s6;
	s10 =	smov.u32 s2;
	[sflag:s4] =	ssyncpa.u1 $0x0  }
0xd: {  	p0 =	por $0x0, $0x0;
	[sflag:s7] =	ssyncpa.u1 $0x0;
	s7 =	sor.u32 $0x1, s5  }
.LBB1_4:
0xe: {  	s16 =	sshll.u32 s13, $0x3;
	s17 =	sand.u32 $0x78, s13  }
0xf: {  	s30 =	sand.u32 $0x1F800, s13;
	s12 =	sshll.u32 s12, $0x11;
	s16 =	sand.u32 $0x3C00, s16  }
0x10: {  	[tilespmem:s15+$0x810 ss:$0x81] =	vst.msk $0xffff, v2;
	s31 =	sand.u32 $0x7, s13;
	s16 =	sor.u32 s17, s16;
	s17 =	sadd.s32 s3, s30  }
0x11: {  	[tilespmem:s15+$0x1020 ss:$0x81] =	vst.msk $0xffff, v0;
	s13 =	sshll.u32 s31, $0x12;
	s12 =	sadd.s32 s12, s17;
	s16 =	sshrl.u32 s16, $0x3  }
0x12: {  	[tilespmem:s15+$0x0 ss:$0x81] =	vst.msk $0xffff, v1;
	s13 =	sor.u32 $0x400, s13;
	s12 =	sadd.s32 s16, s12  }
0x13: {  	[hbm4b:s12+s13] =	stream.strided.scatter [tilespmem:s14], [sflag:$0x2], $0x2000, s8, s13, $0x20;
	[tilespmem:$0x8080] =	vst v63  }
.LBB1_5:
0x14: {  	s14 =	sadd.s32 $0x1, s9  }
0x15: {  	s12 =	sadd.s32 $0x1000, s10;
	s16 =	smov.u32 s10;
	p2 =	sgt.s32 s14, $0x13  }
0x16: {  	s16 =	smov.u32 @p2 s12  }
0x17: {  	s14 =	simm.s32 @p2 $0x0;
	p2 =	sgt.s32 s16, $0x3FFF  }
0x18: {  	s16 =	smov.u32 @p2 s2;
	p2 =	sne.s32 s11, s7  }
.Ltmp1:
0x19: {  	p1 =	slt.u32 s11, $0x2;
	(pc) =	sbr.rel @!p2 .LBB1_6-.Ltmp1, $4  }
0x1a: {  	s15 =	simm.s32 @!p1 $0x2  }
0x1b: {  	s13 =	smov.u32 s10;
	p0 =	por !p0, !p0;
	_ =	swait.ge @!p1 [sflag:s15], $0x2000  }
0x1c: {  	s12 =	smov.u32 s9;
	[sflag:s15] =	ssyncset.done @!p1 $0x0;
	s9 =	smov.u32 s14  }
0x1d: {  	s11 =	sadd.s32 $0x1, s11;
	[sflag:s15] =	ssyncadd.s32 @!p1 $0xFFFFE000;
	s10 =	smov.u32 s16  }
.LBB1_1:
0x1e: {  	p1 =	sge.u32 s11, s5  }
0x1f: {  	s14 =	sand.u32 @!p1 $0x1FFFFFF, s9  }
0x20: {  	s15 =	smulhi.u32 @!p1 $0xAAAAAAB, s14;
	_ =	sdelay $0x1  }
0x21: {  	s15 =	smul.u32 @!p1 $0x18, s15  }
0x22: {  	s16 =	sxor.u32 @!p1 $0xFFFFFFFF, s11;
	s17 =	smul.u32 @!p1 $0x180, s10  }
0x23: {  	s31 =	sadd.s32 $0xFFFFFFFF, s11;
	s16 =	sshll.u32 @!p1 s16, $0xD;
	s14 =	ssub.s32 @!p1 s14, s15  }
0x24: {  	s15 =	sand.u32 @!p1 $0x2000, s16;
	s16 =	sadd.s32 @!p1 s6, s17;
	s14 =	sshll.u32 @!p1 s14, $0x4  }
0x25: {  	s17 =	simm.s32 @!p1 $0xC00;
	s14 =	sadd.s32 @!p1 s14, s16;
	s16 =	simm.s32 @!p1 $0x40  }
0x26: {  	[tilespmem:s15], [sflag:$0x1] =	stream.strided.gather @!p1 [hbm4b:s14+s16], $0x2000, s17, s16, $0x38;
	[tilespmem:$0x8080] =	vst v63  }
0x27: {  	p1 =	sge.u32 s31, s5  }
.Ltmp2:
0x28: {  	_ = 	snop;
	(pc) =	sbr.rel @p1 .LBB1_5-.Ltmp2, $1  }
0x29: {  	_ =	sdelay $0x3  }
0x2a: {  	s14 =	simm.s32 $0x1  }
0x2b: {  	_ =	swait.ge [sflag:s4], $0x2000;
	s14 =	simm.s32 @!p0 $0x0  }
0x2c: {  	[sflag:s4] =	ssyncset.done $0x0;
	s15 =	sshll.u32 s14, $0xD  }
0x2d: {  	[sflag:s4] =	ssyncadd.s32 $0xFFFFE000;
	s18 =	sor.u32 $0x20, s15  }
0x2e: {  	s14 =	smul.u32 $0x8100, s14;
	v3 =	vld [tilespmem:s18+$0x10]  }
0x2f: {  	s30 =	sand.u32 $0x1, s11;
	v2 =	vld [tilespmem:s18+$0xFFFFFFF0]  }
0x30: {  	s15 =	smul.u32 $0x8100, s30;
	s14 =	sshrl.u32 s14, $0x2;
	v0 =	vld [tilespmem:s18+$0x0]  }
0x31: {  	v1 =	vld [tilespmem:s18+$0xFFFFFFE0];
	s16 =	sor.u32 $0x4000, s14  }
0x32: {  	s31 =	sshrl.u32 s15, $0x2;
	s15 =	sadd.s32 $0x0, s16  }
0x33: {  	s17 =	simm.s32 $0x4;
	s18 =	sadd.s32 $0x40, s18;
	s14 =	sor.u32 $0x4000, s31;
	[tilespmem:s15+$0x1830 ss:$0x81] =	vst.msk $0xffff, v3  }
.LBB1_3:
0x34: {  	v3 =	vld [tilespmem:s18+$0x10];
	p1 =	sne.s32 s17, $0x1FC;
	[tilespmem:s15+$0x810 ss:$0x81] =	vst.msk $0xffff, v2;
	s19 =	smov.u32 s17;
	s17 =	sadd.s32 $0x4, s17  }
.Ltmp3:
0x35: {  	v2 =	vld [tilespmem:s18+$0xFFFFFFF0];
	[tilespmem:s15+$0x1020 ss:$0x81] =	vst.msk $0xffff, v0;
	(pc) =	sbr.rel @p1 .LBB1_3-.Ltmp3, $4  }
0x36: {  	v0 =	vld [tilespmem:s18+$0x0];
	[tilespmem:s15+$0x0 ss:$0x81] =	vst.msk $0xffff, v1  }
0x37: {  	s15 =	sshra.s32 s19, $0x2;
	v1 =	vld [tilespmem:s18+$0xFFFFFFE0]  }
0x38: {  	s15 =	sadd.s32 s15, s16  }
0x39: {  	s18 =	sadd.s32 $0x40, s18;
	[tilespmem:s15+$0x1830 ss:$0x81] =	vst.msk $0xffff, v3  }
.Ltmp4:
0x3a: {  	_ = 	snop;
	(pc) =	sbr.rel .LBB1_4-.Ltmp4, $1  }
0x3b: {  	_ =	sdelay $0x3  }
.LBB1_6:
0x3c: {  	_ =	sfence.sel $0x180000  }
0x3d: {  	s2 =	simm.s32 $0x1;
	[bflag:$0x0] =	sbarrier.arrive $0xFFFF  }
0x3e: {  	s31 =	simm.s32 $0x2;
	[sflag:s2] =	ssyncpa.u1 $0x1  }
0x3f: {  	[sflag:s31] =	ssyncpa.u1 $0x1  }
0x40: {  	p0 =	sne.s32 s0, $0x0;
	_ =	strace $0x90000056  }
0x41: {  	s0 =	sadd.s32 @!p0 $0x100000, s1;
	[bflag:$0x2] =	sbarrier.arrive $0xFFFF  }
0x42: {  	[sflag:s0] =	ssyncadd.tile.s32 @!p0 $0x1;
	_ =	shalt  }
.Lfunc_end1:
_tile_overlayer_lowered:
.L_overlay_start_2:
0x43: {  	(tag) =	ssettag $0x2  }
0x44: {  	s0 =	rddreg [dreg:$0x0];
	s2 =	stileid.u32  }
0x45: {  	s1 =	rddreg [dreg:$0x1];
	p0 =	sne.s32 s2, $0x0  }
0x46: {  	s3 =	rddreg [dreg:$0x2];
	[bflag:$0x3] =	sbarrier.arrive $0xFFFF;
	s2 =	simm.s32 @!p0 $0x1C01  }
0x47: {  	[timem:s3], [sflag:s2] =	dma.local @!p0 [hbm:s0], s1  }
0x48: {  	s0 =	simm.s32 @!p0 $0x1  }
0x49: {  	_ =	swait.ge @!p0 [sflag:s0], s1  }
0x4a: {  	s1 =	ssub.s32 @!p0 $0x0, s1;
	[sflag:s0] =	ssyncset.done @!p0 $0x0  }
0x4b: {  	[sflag:s0] =	ssyncadd.s32 @!p0 s1  }
0x4c: {  	[bflag:$0x3] =	sbarrier.arrive $0xFFFF  }
0x4d: {  	_ =	shalt  }

</sc_bundles>
